<compile_context>
chip_gen: v7x
topology: tpu7x:2x2x1
jax: 0.10.2.dev20260603
libtpu: 0.0.44.dev20260713+nightly
codegen_flags: <defaults>
</compile_context>

<pallas_src>
import jax
import jax.numpy as jnp
from jax.experimental import pallas as pl
from jax.experimental.pallas import tpu as pltpu
from jax.experimental.pallas import tpu_sc as plsc

_EPS_BN = 1e-5
_MASKVAL = 1e10
_BIG = 1e30
_W = 16
_NUNITS = 32


def _stats_kernel(x1_ref, x2_ref, w1t_ref, w2t_ref, bgb1_ref, bgb2_ref,
                  h1_ref, feat_ref):
    def lin_bn_relu(x_ref, wt_ref, bgb_ref, o_ref):
        b = bgb_ref[0:1, :]
        gamma = bgb_ref[1:2, :]
        beta = bgb_ref[2:3, :]
        y = jnp.dot(x_ref[...], wt_ref[...],
                    preferred_element_type=jnp.float32) + b
        mu = jnp.mean(y, axis=0, keepdims=True)
        var = jnp.mean((y - mu) * (y - mu), axis=0, keepdims=True)
        s = gamma * jax.lax.rsqrt(var + _EPS_BN)
        o_ref[...] = jnp.maximum(y * s + (beta - mu * s), 0.0)

    lin_bn_relu(x1_ref, w1t_ref, bgb1_ref, h1_ref)
    lin_bn_relu(x2_ref, w2t_ref, bgb2_ref, feat_ref)


def _select_kernel(p1_ref, b1_ref, p2t_ref, b2_ref, idx_ref, wexp_ref):
    blk = p1_ref.shape[0]
    n2 = p2t_ref.shape[1]

    p1 = p1_ref[...]
    p2t = p2t_ref[...]

    dot = jnp.dot(p1, p2t, preferred_element_type=jnp.float32)
    sq1 = (p1[:, 0:1] * p1[:, 0:1] + p1[:, 1:2] * p1[:, 1:2]) \
        + p1[:, 2:3] * p1[:, 2:3]
    sq2 = (p2t[0:1, :] * p2t[0:1, :] + p2t[1:2, :] * p2t[1:2, :]) \
        + p2t[2:3, :] * p2t[2:3, :]
    d2 = sq1 + sq2 - 2.0 * dot
    same = b1_ref[...] == b2_ref[...]
    d2m = jnp.where(same, d2, _MASKVAL)

    d2e = None
    for c in range(3):
        diff = p1[:, c:c + 1] - p2t[c:c + 1, :]
        sq = diff * diff
        d2e = sq if d2e is None else d2e + sq

    iota = jax.lax.broadcasted_iota(jnp.int32, (blk, n2), 1)
    a = d2m
    msel = []
    sels = []
    idxs = []
    for k in range(3):
        m = jnp.min(a, axis=1, keepdims=True)
        sel = a == m
        i = jnp.min(jnp.where(sel, iota, n2), axis=1, keepdims=True)
        msel.append(m)
        sels.append(sel)
        idxs.append(jnp.minimum(i, n2 - 1))
        if k < 2:
            a = jnp.where(sel, _BIG, a)

    ws = []
    for k in range(3):
        mex = jnp.sum(jnp.where(sels[k], d2e, 0.0), axis=1, keepdims=True)
        w = jnp.where(msel[k] < 1e9,
                      1.0 / (jnp.sqrt(mex) + 1e-8), 0.0)
        ws.append(w)
    inv_norm = 1.0 / (ws[0] + ws[1] + ws[2])
    idx_ref[...] = jnp.concatenate(idxs, axis=1)
    wexp_ref[...] = jnp.concatenate(
        [jnp.broadcast_to(w * inv_norm, (blk, 16)) for w in ws]
        + [jnp.zeros((blk, 80), jnp.float32)], axis=1)


def _sc_combine(n1, c_out):
    rpu = n1 // _NUNITS
    mac = 128

    def run(h1, feat, i1, i2, i3, wexp):
        @pl.kernel(
            out_type=jax.ShapeDtypeStruct((n1, c_out), jnp.float32),
            mesh=plsc.VectorSubcoreMesh(core_axis_name="c",
                                        subcore_axis_name="s"),
            scratch_types=[
                pltpu.VMEM((_W, c_out), jnp.float32),
                pltpu.VMEM((mac, 128), jnp.float32),
                pltpu.VMEM((1, mac), jnp.int32),
                pltpu.VMEM((1, mac), jnp.int32),
                pltpu.VMEM((1, mac), jnp.int32),
                pltpu.VMEM((_W, c_out), jnp.float32),
                pltpu.VMEM((_W, c_out), jnp.float32),
                pltpu.VMEM((_W, c_out), jnp.float32),
                pltpu.VMEM((_W, c_out), jnp.float32),
            ],
        )
        def sck(h1_hbm, feat_hbm, i1_hbm, i2_hbm, i3_hbm, w_hbm, o_hbm,
                h1_v, w_v, i1_v, i2_v, i3_v, g1_v, g2_v, g3_v, o_v):
            c = jax.lax.axis_index("c")
            s = jax.lax.axis_index("s")
            u = c * 16 + s

            @pl.loop(0, rpu // mac)
            def _(wi):
                r0 = u * rpu + wi * mac
                pltpu.sync_copy(w_hbm.at[pl.ds(r0, mac), :], w_v)
                pltpu.sync_copy(i1_hbm.at[:, pl.ds(r0, mac)], i1_v)
                pltpu.sync_copy(i2_hbm.at[:, pl.ds(r0, mac)], i2_v)
                pltpu.sync_copy(i3_hbm.at[:, pl.ds(r0, mac)], i3_v)

                @pl.loop(0, mac // _W)
                def _(j):
                    g0 = r0 + j * _W
                    pltpu.sync_copy(h1_hbm.at[pl.ds(g0, _W), :], h1_v)
                    jw = j * _W
                    pltpu.sync_copy(
                        feat_hbm.at[i1_v.at[0, pl.ds(jw, _W)]], g1_v)
                    pltpu.sync_copy(
                        feat_hbm.at[i2_v.at[0, pl.ds(jw, _W)]], g2_v)
                    pltpu.sync_copy(
                        feat_hbm.at[i3_v.at[0, pl.ds(jw, _W)]], g3_v)

                    @pl.loop(0, _W)
                    def _(p):
                        @pl.loop(0, c_out, step=16)
                        def _(ch):
                            sp = (pl.ds(p, 1), pl.ds(ch, 16))
                            wp = pl.ds(jw + p, 1)
                            o_v.at[*sp][...] = (
                                h1_v.at[*sp][...]
                                + w_v.at[wp, pl.ds(0, 16)][...]
                                * g1_v.at[*sp][...]
                                + w_v.at[wp, pl.ds(16, 16)][...]
                                * g2_v.at[*sp][...]
                                + w_v.at[wp, pl.ds(32, 16)][...]
                                * g3_v.at[*sp][...])

                    pltpu.sync_copy(o_v, o_hbm.at[pl.ds(g0, _W), :])

        return sck(h1, feat, i1, i2, i3, wexp)

    return run


def kernel(x1, pos1, batch1, x2, pos2, batch2, W1, b1, gamma1, beta1,
           W2, b2, gamma2, beta2):
    n1, c_out = x1.shape
    n2, c_in = x2.shape

    b1f = batch1.astype(jnp.float32)[:, None]
    b2f = batch2.astype(jnp.float32)[None, :]
    p2t = pos2.T

    bgb1 = jnp.stack([b1, gamma1, beta1])
    bgb2 = jnp.stack([b2, gamma2, beta2])

    h1, feat = pl.pallas_call(
        _stats_kernel,
        out_shape=[
            jax.ShapeDtypeStruct((n1, c_out), jnp.float32),
            jax.ShapeDtypeStruct((n2, c_out), jnp.float32),
        ],
    )(x1, x2, W1.T, W2.T, bgb1, bgb2)

    blk = 512
    grid = n1 // blk
    idx, wexp = pl.pallas_call(
        _select_kernel,
        grid=(grid,),
        in_specs=[
            pl.BlockSpec((blk, 3), lambda i: (i, 0)),
            pl.BlockSpec((blk, 1), lambda i: (i, 0)),
            pl.BlockSpec((3, n2), lambda i: (0, 0)),
            pl.BlockSpec((1, n2), lambda i: (0, 0)),
        ],
        out_specs=[
            pl.BlockSpec((blk, 3), lambda i: (i, 0)),
            pl.BlockSpec((blk, 128), lambda i: (i, 0)),
        ],
        out_shape=[
            jax.ShapeDtypeStruct((n1, 3), jnp.int32),
            jax.ShapeDtypeStruct((n1, 128), jnp.float32),
        ],
    )(pos1, b1f, p2t, b2f)

    i1 = idx[:, 0].reshape(1, n1)
    i2 = idx[:, 1].reshape(1, n1)
    i3 = idx[:, 2].reshape(1, n1)
    x = _sc_combine(n1, c_out)(h1, feat, i1, i2, i3, wexp)
    return (x, pos1, batch1)

# --- scband reference (transcript-rebuilt; emitter-appended) ---
"""Pipeline reference for scband-transition-up-1881195676255 (READ-ONLY COPY).

The authoritative reference and input builder live on the scoring server;
editing this copy changes nothing except your own understanding.
"""

import jax, jax.numpy as jnp
import numpy as np

N1, N2, C_IN, C_OUT, NB, K = 8192, 2048, 256, 256, 8, 3

def setup_inputs(seed: int = 0) -> dict:
    key = jax.random.key(seed)
    ks = jax.random.split(key, 14)
    x1 = jax.random.normal(ks[0], (N1, C_OUT), jnp.float32)
    pos1 = jax.random.uniform(ks[1], (N1, 3), dtype=jnp.float32)
    batch1 = jnp.sort(jax.random.randint(ks[2], (N1,), 0, NB))
    x2 = jax.random.normal(ks[3], (N2, C_IN), jnp.float32)
    pos2 = jax.random.uniform(ks[4], (N2, 3), dtype=jnp.float32)
    batch2 = jnp.sort(jax.random.randint(ks[5], (N2,), 0, NB))
    # linear1: Linear(out_planes, out_planes) + BatchNorm1d(out_planes) + ReLU
    W1 = jax.random.normal(ks[6], (C_OUT, C_OUT), jnp.float32) * 0.02
    b1 = jnp.zeros((C_OUT,), jnp.float32)
    gamma1 = jnp.ones((C_OUT,), jnp.float32)
    beta1 = jnp.zeros((C_OUT,), jnp.float32)
    # linear2: Linear(in_planes, out_planes) + BatchNorm1d(out_planes) + ReLU
    W2 = jax.random.normal(ks[7], (C_OUT, C_IN), jnp.float32) * 0.02
    b2 = jnp.zeros((C_OUT,), jnp.float32)
    gamma2 = jnp.ones((C_OUT,), jnp.float32)
    beta2 = jnp.zeros((C_OUT,), jnp.float32)
    return {"x1": x1, "pos1": pos1, "batch1": batch1, "x2": x2, "pos2": pos2,
            "batch2": batch2, "W1": W1, "b1": b1, "gamma1": gamma1, "beta1": beta1,
            "W2": W2, "b2": b2, "gamma2": gamma2, "beta2": beta2}

def _batchnorm_train(x, gamma, beta, eps=1e-5):
    mean = jnp.mean(x, axis=0)
    var = jnp.mean((x - mean) ** 2, axis=0)  # biased var, torch BN training mode
    return gamma * (x - mean) / jnp.sqrt(var + eps) + beta

def reference(x1, pos1, batch1, x2, pos2, batch2, W1, b1, gamma1, beta1, W2, b2, gamma2, beta2):
    # linear1(x1)
    h1 = jnp.maximum(_batchnorm_train(x1 @ W1.T + b1, gamma1, beta1), 0.0)
    # linear2(x2)
    feat = jnp.maximum(_batchnorm_train(x2 @ W2.T + b2, gamma2, beta2), 0.0)
    # knn_query(pos2, batch2, k=3, pos1, batch1): for each fine point, k nearest coarse pts in same batch
    sq1 = jnp.sum(pos1 * pos1, axis=-1)
    sq2 = jnp.sum(pos2 * pos2, axis=-1)
    d2 = sq1[:, None] + sq2[None, :] - 2.0 * (pos1 @ pos2.T)
    same = batch1[:, None] == batch2[None, :]
    d2m = jnp.where(same, d2, 1e10)
    _, idx = jax.lax.top_k(-d2m, K)  # [N1, K]
    mask = batch2[idx] != batch1[:, None]  # invalid neighbor mask
    # interpolation weights from true euclidean distances
    diff = pos1[:, None, :] - pos2[idx]
    dist = jnp.sqrt(jnp.sum(diff * diff, axis=-1))
    dist_recip = 1.0 / (dist + 1e-8)
    dist_recip = jnp.where(mask, 0.0, dist_recip)
    norm = jnp.sum(dist_recip, axis=1, keepdims=True)
    weight = dist_recip / norm
    new_feat = jnp.zeros((pos1.shape[0], feat.shape[1]), jnp.float32)
    for i in range(K):
        new_feat = new_feat + feat[idx[:, i]] * weight[:, i][:, None]
    x = h1 + new_feat
    return (x, pos1, batch1)

if __name__ == "__main__":
    import jax
    _d = setup_inputs()
    print(jax.jit(kernel)(*tuple(_d.values())))

</pallas_src>

<mosaic_0001>
#map = affine_map<(d0, d1) -> (0, 0)>
module attributes {stable_mosaic.version = 14 : i64} {
  func.func @sck(%arg0: i32, %arg1: i32, %arg2: memref<8192x256xf32, #tpu.memory_space<hbm>>, %arg3: memref<2048x256xf32, #tpu.memory_space<hbm>>, %arg4: memref<1x8192xi32, #tpu.memory_space<hbm>>, %arg5: memref<1x8192xi32, #tpu.memory_space<hbm>>, %arg6: memref<1x8192xi32, #tpu.memory_space<hbm>>, %arg7: memref<8192x128xf32, #tpu.memory_space<hbm>>, %arg8: memref<8192x256xf32, #tpu.memory_space<hbm>>, %arg9: memref<16x256xf32, #tpu.memory_space<vmem>>, %arg10: memref<128x128xf32, #tpu.memory_space<vmem>>, %arg11: memref<1x128xi32, #tpu.memory_space<vmem>>, %arg12: memref<1x128xi32, #tpu.memory_space<vmem>>, %arg13: memref<1x128xi32, #tpu.memory_space<vmem>>, %arg14: memref<16x256xf32, #tpu.memory_space<vmem>>, %arg15: memref<16x256xf32, #tpu.memory_space<vmem>>, %arg16: memref<16x256xf32, #tpu.memory_space<vmem>>, %arg17: memref<16x256xf32, #tpu.memory_space<vmem>>) attributes {dimension_semantics = [#tpu.dimension_semantics<core_parallel>, #tpu.dimension_semantics<subcore_parallel>], iteration_bounds = array<i64: 2, 16>, scalar_prefetch = 0 : i64, scratch_operands = 9 : i64, tpu.core_type = #tpu.core_type<sc_vector_subcore>, window_params = [{transform_indices = #map}, {transform_indices = #map}, {transform_indices = #map}, {transform_indices = #map}, {transform_indices = #map}, {transform_indices = #map}, {transform_indices = #map}]} {
    %mul3A = arith.constant 16 : i32
    %mul3A_0 = arith.muli %arg0, %mul3A : i32
    %add3A = arith.addi %mul3A_0, %arg1 : i32
    %scan3A = arith.constant 0 : i32
    %scan3A_1 = arith.constant 2 : i32
    %scan3A_2 = arith.addi %scan3A, %scan3A_1 : i32
    %scan3A_3 = arith.constant 1 : i32
    scf.for %scan3A_5 = %scan3A to %scan3A_2 step %scan3A_3  : i32 {
      %mul3A_6 = arith.constant 1 : i32
      %mul3A_7 = arith.muli %scan3A_5, %mul3A_6 : i32
      %add3A_8 = arith.constant 0 : i32
      %add3A_9 = arith.addi %add3A_8, %mul3A_7 : i32
      %mul3A_10 = arith.constant 256 : i32
      %mul3A_11 = arith.muli %add3A, %mul3A_10 : i32
      %mul3A_12 = arith.constant 128 : i32
      %mul3A_13 = arith.muli %add3A_9, %mul3A_12 : i32
      %add3A_14 = arith.addi %mul3A_11, %mul3A_13 : i32
      "tpu.region"() ({
        %run_scoped3A = tpu.sem_alloc : memref<!tpu.dma_semaphore, #tpu.memory_space<semaphore_mem>>
        %dma_start3A = arith.constant 0 : i32
        %dma_start3A_20 = tpu.memref_slice %arg7[%add3A_14, %dma_start3A] : memref<8192x128xf32, #tpu.memory_space<hbm>> -> memref<128x128xf32, #tpu.memory_space<hbm>>
        %dma_start3A_21 = arith.constant 0 : i32
        %dma_start3A_22 = tpu.memref_slice %arg7[%add3A_14, %dma_start3A_21] : memref<8192x128xf32, #tpu.memory_space<hbm>> -> memref<128x128xf32, #tpu.memory_space<hbm>>
        tpu.enqueue_dma source(%dma_start3A_22 : memref<128x128xf32, #tpu.memory_space<hbm>>) target(%arg10 : memref<128x128xf32, #tpu.memory_space<vmem>>) target_semaphore(%run_scoped3A : memref<!tpu.dma_semaphore, #tpu.memory_space<semaphore_mem>>)
        %dma_wait3A = arith.constant 0 : i32
        %dma_wait3A_23 = tpu.memref_slice %arg7[%add3A_14, %dma_wait3A] : memref<8192x128xf32, #tpu.memory_space<hbm>> -> memref<128x128xf32, #tpu.memory_space<hbm>>
        %dma_wait3A_24 = arith.constant 0 : i32
        %dma_wait3A_25 = tpu.memref_slice %arg7[%add3A_14, %dma_wait3A_24] : memref<8192x128xf32, #tpu.memory_space<hbm>> -> memref<128x128xf32, #tpu.memory_space<hbm>>
        tpu.wait_dma2 semaphore(%run_scoped3A : memref<!tpu.dma_semaphore, #tpu.memory_space<semaphore_mem>>) src(%dma_wait3A_25 : memref<128x128xf32, #tpu.memory_space<hbm>>) dst(%arg10 : memref<128x128xf32, #tpu.memory_space<vmem>>)
        tpu.yield
      }) : () -> ()
      "tpu.region"() ({
        %run_scoped3A = tpu.sem_alloc : memref<!tpu.dma_semaphore, #tpu.memory_space<semaphore_mem>>
        %dma_start3A = arith.constant 0 : i32
        %dma_start3A_20 = tpu.memref_slice %arg4[%dma_start3A, %add3A_14] : memref<1x8192xi32, #tpu.memory_space<hbm>> -> memref<1x128xi32, #tpu.memory_space<hbm>>
        %dma_start3A_21 = arith.constant 0 : i32
        %dma_start3A_22 = tpu.memref_slice %arg4[%dma_start3A_21, %add3A_14] : memref<1x8192xi32, #tpu.memory_space<hbm>> -> memref<1x128xi32, #tpu.memory_space<hbm>>
        tpu.enqueue_dma source(%dma_start3A_22 : memref<1x128xi32, #tpu.memory_space<hbm>>) target(%arg11 : memref<1x128xi32, #tpu.memory_space<vmem>>) target_semaphore(%run_scoped3A : memref<!tpu.dma_semaphore, #tpu.memory_space<semaphore_mem>>)
        %dma_wait3A = arith.constant 0 : i32
        %dma_wait3A_23 = tpu.memref_slice %arg4[%dma_wait3A, %add3A_14] : memref<1x8192xi32, #tpu.memory_space<hbm>> -> memref<1x128xi32, #tpu.memory_space<hbm>>
        %dma_wait3A_24 = arith.constant 0 : i32
        %dma_wait3A_25 = tpu.memref_slice %arg4[%dma_wait3A_24, %add3A_14] : memref<1x8192xi32, #tpu.memory_space<hbm>> -> memref<1x128xi32, #tpu.memory_space<hbm>>
        tpu.wait_dma2 semaphore(%run_scoped3A : memref<!tpu.dma_semaphore, #tpu.memory_space<semaphore_mem>>) src(%dma_wait3A_25 : memref<1x128xi32, #tpu.memory_space<hbm>>) dst(%arg11 : memref<1x128xi32, #tpu.memory_space<vmem>>)
        tpu.yield
      }) : () -> ()
      "tpu.region"() ({
        %run_scoped3A = tpu.sem_alloc : memref<!tpu.dma_semaphore, #tpu.memory_space<semaphore_mem>>
        %dma_start3A = arith.constant 0 : i32
        %dma_start3A_20 = tpu.memref_slice %arg5[%dma_start3A, %add3A_14] : memref<1x8192xi32, #tpu.memory_space<hbm>> -> memref<1x128xi32, #tpu.memory_space<hbm>>
        %dma_start3A_21 = arith.constant 0 : i32
        %dma_start3A_22 = tpu.memref_slice %arg5[%dma_start3A_21, %add3A_14] : memref<1x8192xi32, #tpu.memory_space<hbm>> -> memref<1x128xi32, #tpu.memory_space<hbm>>
        tpu.enqueue_dma source(%dma_start3A_22 : memref<1x128xi32, #tpu.memory_space<hbm>>) target(%arg12 : memref<1x128xi32, #tpu.memory_space<vmem>>) target_semaphore(%run_scoped3A : memref<!tpu.dma_semaphore, #tpu.memory_space<semaphore_mem>>)
        %dma_wait3A = arith.constant 0 : i32
        %dma_wait3A_23 = tpu.memref_slice %arg5[%dma_wait3A, %add3A_14] : memref<1x8192xi32, #tpu.memory_space<hbm>> -> memref<1x128xi32, #tpu.memory_space<hbm>>
        %dma_wait3A_24 = arith.constant 0 : i32
        %dma_wait3A_25 = tpu.memref_slice %arg5[%dma_wait3A_24, %add3A_14] : memref<1x8192xi32, #tpu.memory_space<hbm>> -> memref<1x128xi32, #tpu.memory_space<hbm>>
        tpu.wait_dma2 semaphore(%run_scoped3A : memref<!tpu.dma_semaphore, #tpu.memory_space<semaphore_mem>>) src(%dma_wait3A_25 : memref<1x128xi32, #tpu.memory_space<hbm>>) dst(%arg12 : memref<1x128xi32, #tpu.memory_space<vmem>>)
        tpu.yield
      }) : () -> ()
      "tpu.region"() ({
        %run_scoped3A = tpu.sem_alloc : memref<!tpu.dma_semaphore, #tpu.memory_space<semaphore_mem>>
        %dma_start3A = arith.constant 0 : i32
        %dma_start3A_20 = tpu.memref_slice %arg6[%dma_start3A, %add3A_14] : memref<1x8192xi32, #tpu.memory_space<hbm>> -> memref<1x128xi32, #tpu.memory_space<hbm>>
        %dma_start3A_21 = arith.constant 0 : i32
        %dma_start3A_22 = tpu.memref_slice %arg6[%dma_start3A_21, %add3A_14] : memref<1x8192xi32, #tpu.memory_space<hbm>> -> memref<1x128xi32, #tpu.memory_space<hbm>>
        tpu.enqueue_dma source(%dma_start3A_22 : memref<1x128xi32, #tpu.memory_space<hbm>>) target(%arg13 : memref<1x128xi32, #tpu.memory_space<vmem>>) target_semaphore(%run_scoped3A : memref<!tpu.dma_semaphore, #tpu.memory_space<semaphore_mem>>)
        %dma_wait3A = arith.constant 0 : i32
        %dma_wait3A_23 = tpu.memref_slice %arg6[%dma_wait3A, %add3A_14] : memref<1x8192xi32, #tpu.memory_space<hbm>> -> memref<1x128xi32, #tpu.memory_space<hbm>>
        %dma_wait3A_24 = arith.constant 0 : i32
        %dma_wait3A_25 = tpu.memref_slice %arg6[%dma_wait3A_24, %add3A_14] : memref<1x8192xi32, #tpu.memory_space<hbm>> -> memref<1x128xi32, #tpu.memory_space<hbm>>
        tpu.wait_dma2 semaphore(%run_scoped3A : memref<!tpu.dma_semaphore, #tpu.memory_space<semaphore_mem>>) src(%dma_wait3A_25 : memref<1x128xi32, #tpu.memory_space<hbm>>) dst(%arg13 : memref<1x128xi32, #tpu.memory_space<vmem>>)
        tpu.yield
      }) : () -> ()
      %scan3A_15 = arith.constant 0 : i32
      %scan3A_16 = arith.constant 8 : i32
      %scan3A_17 = arith.addi %scan3A_15, %scan3A_16 : i32
      %scan3A_18 = arith.constant 1 : i32
      scf.for %scan3A_20 = %scan3A_15 to %scan3A_17 step %scan3A_18  : i32 {
        %mul3A_21 = arith.constant 1 : i32
        %mul3A_22 = arith.muli %scan3A_20, %mul3A_21 : i32
        %add3A_23 = arith.constant 0 : i32
        %add3A_24 = arith.addi %add3A_23, %mul3A_22 : i32
        %mul3A_25 = arith.constant 16 : i32
        %mul3A_26 = arith.muli %add3A_24, %mul3A_25 : i32
        %add3A_27 = arith.addi %add3A_14, %mul3A_26 : i32
        "tpu.region"() ({
          %run_scoped3A_37 = tpu.sem_alloc : memref<!tpu.dma_semaphore, #tpu.memory_space<semaphore_mem>>
          %dma_start3A = arith.constant 0 : i32
          %dma_start3A_38 = tpu.memref_slice %arg2[%add3A_27, %dma_start3A] : memref<8192x256xf32, #tpu.memory_space<hbm>> -> memref<16x256xf32, #tpu.memory_space<hbm>>
          %dma_start3A_39 = arith.constant 0 : i32
          %dma_start3A_40 = tpu.memref_slice %arg2[%add3A_27, %dma_start3A_39] : memref<8192x256xf32, #tpu.memory_space<hbm>> -> memref<16x256xf32, #tpu.memory_space<hbm>>
          tpu.enqueue_dma source(%dma_start3A_40 : memref<16x256xf32, #tpu.memory_space<hbm>>) target(%arg9 : memref<16x256xf32, #tpu.memory_space<vmem>>) target_semaphore(%run_scoped3A_37 : memref<!tpu.dma_semaphore, #tpu.memory_space<semaphore_mem>>)
          %dma_wait3A = arith.constant 0 : i32
          %dma_wait3A_41 = tpu.memref_slice %arg2[%add3A_27, %dma_wait3A] : memref<8192x256xf32, #tpu.memory_space<hbm>> -> memref<16x256xf32, #tpu.memory_space<hbm>>
          %dma_wait3A_42 = arith.constant 0 : i32
          %dma_wait3A_43 = tpu.memref_slice %arg2[%add3A_27, %dma_wait3A_42] : memref<8192x256xf32, #tpu.memory_space<hbm>> -> memref<16x256xf32, #tpu.memory_space<hbm>>
          tpu.wait_dma2 semaphore(%run_scoped3A_37 : memref<!tpu.dma_semaphore, #tpu.memory_space<semaphore_mem>>) src(%dma_wait3A_43 : memref<16x256xf32, #tpu.memory_space<hbm>>) dst(%arg9 : memref<16x256xf32, #tpu.memory_space<vmem>>)
          tpu.yield
        }) : () -> ()
        %mul3A_28 = arith.constant 16 : i32
        %mul3A_29 = arith.muli %add3A_24, %mul3A_28 : i32
        %run_scoped3A = arith.constant 0 : i32
        "tpu.region"() ({
          %run_scoped3A_37 = tpu.sem_alloc : memref<!tpu.dma_semaphore, #tpu.memory_space<semaphore_mem>>
          %dma_start3A = tpu.memref_slice %arg11[%run_scoped3A, %mul3A_29] : memref<1x128xi32, #tpu.memory_space<vmem>> -> memref<1x16xi32, #tpu.memory_space<vmem>>
          %dma_start3A_38 = tpu.memref_squeeze %dma_start3A : memref<1x16xi32, #tpu.memory_space<vmem>> -> memref<16xi32, #tpu.memory_space<vmem>>
          %dma_start3A_39 = arith.constant 0 : i32
          %dma_start3A_40 = arith.constant 0 : i32
          %dma_start3A_41 = tpu.memref_slice %arg3[%dma_start3A_39, %dma_start3A_40] : memref<2048x256xf32, #tpu.memory_space<hbm>> -> memref<2048x256xf32, #tpu.memory_space<hbm>>
          tpu.enqueue_indirect_dma source(%dma_start3A_41 : memref<2048x256xf32, #tpu.memory_space<hbm>>) target(%arg14 : memref<16x256xf32, #tpu.memory_space<vmem>>) offsets(%dma_start3A_38 : memref<16xi32, #tpu.memory_space<vmem>>) semaphore(%run_scoped3A_37 : memref<!tpu.dma_semaphore, #tpu.memory_space<semaphore_mem>>)
          %dma_wait3A = tpu.memref_slice %arg11[%run_scoped3A, %mul3A_29] : memref<1x128xi32, #tpu.memory_space<vmem>> -> memref<1x16xi32, #tpu.memory_space<vmem>>
          %dma_wait3A_42 = tpu.memref_squeeze %dma_wait3A : memref<1x16xi32, #tpu.memory_space<vmem>> -> memref<16xi32, #tpu.memory_space<vmem>>
          %dma_wait3A_43 = arith.constant 0 : i32
          %dma_wait3A_44 = arith.constant 0 : i32
          %dma_wait3A_45 = tpu.memref_slice %arg3[%dma_wait3A_43, %dma_wait3A_44] : memref<2048x256xf32, #tpu.memory_space<hbm>> -> memref<2048x256xf32, #tpu.memory_space<hbm>>
          tpu.wait_indirect_dma semaphore(%run_scoped3A_37 : memref<!tpu.dma_semaphore, #tpu.memory_space<semaphore_mem>>) src(%dma_wait3A_45 : memref<2048x256xf32, #tpu.memory_space<hbm>>) dst(%arg14 : memref<16x256xf32, #tpu.memory_space<vmem>>)
          tpu.yield
        }) : () -> ()
        %run_scoped3A_30 = arith.constant 0 : i32
        "tpu.region"() ({
          %run_scoped3A_37 = tpu.sem_alloc : memref<!tpu.dma_semaphore, #tpu.memory_space<semaphore_mem>>
          %dma_start3A = tpu.memref_slice %arg12[%run_scoped3A_30, %mul3A_29] : memref<1x128xi32, #tpu.memory_space<vmem>> -> memref<1x16xi32, #tpu.memory_space<vmem>>
          %dma_start3A_38 = tpu.memref_squeeze %dma_start3A : memref<1x16xi32, #tpu.memory_space<vmem>> -> memref<16xi32, #tpu.memory_space<vmem>>
          %dma_start3A_39 = arith.constant 0 : i32
          %dma_start3A_40 = arith.constant 0 : i32
          %dma_start3A_41 = tpu.memref_slice %arg3[%dma_start3A_39, %dma_start3A_40] : memref<2048x256xf32, #tpu.memory_space<hbm>> -> memref<2048x256xf32, #tpu.memory_space<hbm>>
          tpu.enqueue_indirect_dma source(%dma_start3A_41 : memref<2048x256xf32, #tpu.memory_space<hbm>>) target(%arg15 : memref<16x256xf32, #tpu.memory_space<vmem>>) offsets(%dma_start3A_38 : memref<16xi32, #tpu.memory_space<vmem>>) semaphore(%run_scoped3A_37 : memref<!tpu.dma_semaphore, #tpu.memory_space<semaphore_mem>>)
          %dma_wait3A = tpu.memref_slice %arg12[%run_scoped3A_30, %mul3A_29] : memref<1x128xi32, #tpu.memory_space<vmem>> -> memref<1x16xi32, #tpu.memory_space<vmem>>
          %dma_wait3A_42 = tpu.memref_squeeze %dma_wait3A : memref<1x16xi32, #tpu.memory_space<vmem>> -> memref<16xi32, #tpu.memory_space<vmem>>
          %dma_wait3A_43 = arith.constant 0 : i32
          %dma_wait3A_44 = arith.constant 0 : i32
          %dma_wait3A_45 = tpu.memref_slice %arg3[%dma_wait3A_43, %dma_wait3A_44] : memref<2048x256xf32, #tpu.memory_space<hbm>> -> memref<2048x256xf32, #tpu.memory_space<hbm>>
          tpu.wait_indirect_dma semaphore(%run_scoped3A_37 : memref<!tpu.dma_semaphore, #tpu.memory_space<semaphore_mem>>) src(%dma_wait3A_45 : memref<2048x256xf32, #tpu.memory_space<hbm>>) dst(%arg15 : memref<16x256xf32, #tpu.memory_space<vmem>>)
          tpu.yield
        }) : () -> ()
        %run_scoped3A_31 = arith.constant 0 : i32
        "tpu.region"() ({
          %run_scoped3A_37 = tpu.sem_alloc : memref<!tpu.dma_semaphore, #tpu.memory_space<semaphore_mem>>
          %dma_start3A = tpu.memref_slice %arg13[%run_scoped3A_31, %mul3A_29] : memref<1x128xi32, #tpu.memory_space<vmem>> -> memref<1x16xi32, #tpu.memory_space<vmem>>
          %dma_start3A_38 = tpu.memref_squeeze %dma_start3A : memref<1x16xi32, #tpu.memory_space<vmem>> -> memref<16xi32, #tpu.memory_space<vmem>>
          %dma_start3A_39 = arith.constant 0 : i32
          %dma_start3A_40 = arith.constant 0 : i32
          %dma_start3A_41 = tpu.memref_slice %arg3[%dma_start3A_39, %dma_start3A_40] : memref<2048x256xf32, #tpu.memory_space<hbm>> -> memref<2048x256xf32, #tpu.memory_space<hbm>>
          tpu.enqueue_indirect_dma source(%dma_start3A_41 : memref<2048x256xf32, #tpu.memory_space<hbm>>) target(%arg16 : memref<16x256xf32, #tpu.memory_space<vmem>>) offsets(%dma_start3A_38 : memref<16xi32, #tpu.memory_space<vmem>>) semaphore(%run_scoped3A_37 : memref<!tpu.dma_semaphore, #tpu.memory_space<semaphore_mem>>)
          %dma_wait3A = tpu.memref_slice %arg13[%run_scoped3A_31, %mul3A_29] : memref<1x128xi32, #tpu.memory_space<vmem>> -> memref<1x16xi32, #tpu.memory_space<vmem>>
          %dma_wait3A_42 = tpu.memref_squeeze %dma_wait3A : memref<1x16xi32, #tpu.memory_space<vmem>> -> memref<16xi32, #tpu.memory_space<vmem>>
          %dma_wait3A_43 = arith.constant 0 : i32
          %dma_wait3A_44 = arith.constant 0 : i32
          %dma_wait3A_45 = tpu.memref_slice %arg3[%dma_wait3A_43, %dma_wait3A_44] : memref<2048x256xf32, #tpu.memory_space<hbm>> -> memref<2048x256xf32, #tpu.memory_space<hbm>>
          tpu.wait_indirect_dma semaphore(%run_scoped3A_37 : memref<!tpu.dma_semaphore, #tpu.memory_space<semaphore_mem>>) src(%dma_wait3A_45 : memref<2048x256xf32, #tpu.memory_space<hbm>>) dst(%arg16 : memref<16x256xf32, #tpu.memory_space<vmem>>)
          tpu.yield
        }) : () -> ()
        %scan3A_32 = arith.constant 0 : i32
        %scan3A_33 = arith.constant 16 : i32
        %scan3A_34 = arith.addi %scan3A_32, %scan3A_33 : i32
        %scan3A_35 = arith.constant 1 : i32
        scf.for %scan3A_37 = %scan3A_32 to %scan3A_34 step %scan3A_35  : i32 {
          %mul3A_38 = arith.constant 1 : i32
          %mul3A_39 = arith.muli %scan3A_37, %mul3A_38 : i32
          %add3A_40 = arith.constant 0 : i32
          %add3A_41 = arith.addi %add3A_40, %mul3A_39 : i32
          %scan3A_42 = arith.constant 0 : i32
          %scan3A_43 = arith.constant 16 : i32
          %scan3A_44 = arith.addi %scan3A_42, %scan3A_43 : i32
          %scan3A_45 = arith.constant 1 : i32
          scf.for %scan3A_47 = %scan3A_42 to %scan3A_44 step %scan3A_45  : i32 {
            %mul3A_48 = arith.constant 16 : i32
            %mul3A_49 = arith.muli %scan3A_47, %mul3A_48 : i32
            %add3A_50 = arith.constant 0 : i32
            %add3A_51 = arith.addi %add3A_50, %mul3A_49 : i32
            %add3A_52 = arith.addi %mul3A_29, %add3A_41 : i32
            %get3A = arith.index_cast %add3A_41 : i32 to index
            %get3A_53 = arith.index_cast %add3A_51 : i32 to index
            %get3A_54 = tpu.vector_load %arg9[%get3A, %get3A_53] {strides = array<i32>} : memref<16x256xf32, #tpu.memory_space<vmem>>, vector<1x16xf32>,
            %get3A_55 = vector.shape_cast %get3A_54 : vector<1x16xf32> to vector<1x16xf32>
            %get3A_56 = arith.index_cast %add3A_52 : i32 to index
            %get3A_57 = arith.constant 0 : index
            %get3A_58 = tpu.vector_load %arg10[%get3A_56, %get3A_57] {strides = array<i32>} : memref<128x128xf32, #tpu.memory_space<vmem>>, vector<1x16xf32>,
            %get3A_59 = vector.shape_cast %get3A_58 : vector<1x16xf32> to vector<1x16xf32>
            %get3A_60 = arith.index_cast %add3A_41 : i32 to index
            %get3A_61 = arith.index_cast %add3A_51 : i32 to index
            %get3A_62 = tpu.vector_load %arg14[%get3A_60, %get3A_61] {strides = array<i32>} : memref<16x256xf32, #tpu.memory_space<vmem>>, vector<1x16xf32>,
            %get3A_63 = vector.shape_cast %get3A_62 : vector<1x16xf32> to vector<1x16xf32>
            %mul3A_64 = arith.mulf %get3A_59, %get3A_63 : vector<1x16xf32>
            %add3A_65 = arith.addf %get3A_55, %mul3A_64 : vector<1x16xf32>
            %get3A_66 = arith.index_cast %add3A_52 : i32 to index
            %get3A_67 = arith.constant 16 : index
            %get3A_68 = tpu.vector_load %arg10[%get3A_66, %get3A_67] {strides = array<i32>} : memref<128x128xf32, #tpu.memory_space<vmem>>, vector<1x16xf32>,
            %get3A_69 = vector.shape_cast %get3A_68 : vector<1x16xf32> to vector<1x16xf32>
            %get3A_70 = arith.index_cast %add3A_41 : i32 to index
            %get3A_71 = arith.index_cast %add3A_51 : i32 to index
            %get3A_72 = tpu.vector_load %arg15[%get3A_70, %get3A_71] {strides = array<i32>} : memref<16x256xf32, #tpu.memory_space<vmem>>, vector<1x16xf32>,
            %get3A_73 = vector.shape_cast %get3A_72 : vector<1x16xf32> to vector<1x16xf32>
            %mul3A_74 = arith.mulf %get3A_69, %get3A_73 : vector<1x16xf32>
            %add3A_75 = arith.addf %add3A_65, %mul3A_74 : vector<1x16xf32>
            %get3A_76 = arith.index_cast %add3A_52 : i32 to index
            %get3A_77 = arith.constant 32 : index
            %get3A_78 = tpu.vector_load %arg10[%get3A_76, %get3A_77] {strides = array<i32>} : memref<128x128xf32, #tpu.memory_space<vmem>>, vector<1x16xf32>,
            %get3A_79 = vector.shape_cast %get3A_78 : vector<1x16xf32> to vector<1x16xf32>
            %get3A_80 = arith.index_cast %add3A_41 : i32 to index
            %get3A_81 = arith.index_cast %add3A_51 : i32 to index
            %get3A_82 = tpu.vector_load %arg16[%get3A_80, %get3A_81] {strides = array<i32>} : memref<16x256xf32, #tpu.memory_space<vmem>>, vector<1x16xf32>,
            %get3A_83 = vector.shape_cast %get3A_82 : vector<1x16xf32> to vector<1x16xf32>
            %mul3A_84 = arith.mulf %get3A_79, %get3A_83 : vector<1x16xf32>
            %add3A_85 = arith.addf %add3A_75, %mul3A_84 : vector<1x16xf32>
            %swap3A = arith.index_cast %add3A_41 : i32 to index
            %swap3A_86 = arith.index_cast %add3A_51 : i32 to index
            %swap3A_87 = tpu.vector_load %arg17[%swap3A, %swap3A_86] {strides = array<i32>} : memref<16x256xf32, #tpu.memory_space<vmem>>, vector<1x16xf32>,
            %swap3A_88 = vector.shape_cast %swap3A_87 : vector<1x16xf32> to vector<1x16xf32>
            %swap3A_89 = vector.shape_cast %add3A_85 : vector<1x16xf32> to vector<1x16xf32>
            tpu.vector_store %arg17[%swap3A, %swap3A_86], %swap3A_89 {strides = array<i32>} : memref<16x256xf32, #tpu.memory_space<vmem>>, vector<1x16xf32>,
          }
          %scan3A_46 = arith.constant 16 : i32
        }
        %scan3A_36 = arith.constant 16 : i32
        "tpu.region"() ({
          %run_scoped3A_37 = tpu.sem_alloc : memref<!tpu.dma_semaphore, #tpu.memory_space<semaphore_mem>>
          %dma_start3A = arith.constant 0 : i32
          %dma_start3A_38 = tpu.memref_slice %arg8[%add3A_27, %dma_start3A] : memref<8192x256xf32, #tpu.memory_space<hbm>> -> memref<16x256xf32, #tpu.memory_space<hbm>>
          %dma_start3A_39 = arith.constant 0 : i32
          %dma_start3A_40 = tpu.memref_slice %arg8[%add3A_27, %dma_start3A_39] : memref<8192x256xf32, #tpu.memory_space<hbm>> -> memref<16x256xf32, #tpu.memory_space<hbm>>
          tpu.enqueue_dma source(%arg17 : memref<16x256xf32, #tpu.memory_space<vmem>>) target(%dma_start3A_40 : memref<16x256xf32, #tpu.memory_space<hbm>>) target_semaphore(%run_scoped3A_37 : memref<!tpu.dma_semaphore, #tpu.memory_space<semaphore_mem>>)
          %dma_wait3A = arith.constant 0 : i32
          %dma_wait3A_41 = tpu.memref_slice %arg8[%add3A_27, %dma_wait3A] : memref<8192x256xf32, #tpu.memory_space<hbm>> -> memref<16x256xf32, #tpu.memory_space<hbm>>
          %dma_wait3A_42 = arith.constant 0 : i32
          %dma_wait3A_43 = tpu.memref_slice %arg8[%add3A_27, %dma_wait3A_42] : memref<8192x256xf32, #tpu.memory_space<hbm>> -> memref<16x256xf32, #tpu.memory_space<hbm>>
          tpu.wait_dma2 semaphore(%run_scoped3A_37 : memref<!tpu.dma_semaphore, #tpu.memory_space<semaphore_mem>>) src(%arg17 : memref<16x256xf32, #tpu.memory_space<vmem>>) dst(%dma_wait3A_43 : memref<16x256xf32, #tpu.memory_space<hbm>>)
          tpu.yield
        }) : () -> ()
      }
      %scan3A_19 = arith.constant 8 : i32
    }
    %scan3A_4 = arith.constant 2 : i32
    return
  }
}

module attributes {stable_mosaic.version = 14 : i64} {
  func.func @_select_kernel(%arg0: i32, %arg1: memref<512x3xf32, #tpu.memory_space<vmem>>, %arg2: memref<512x1xf32, #tpu.memory_space<vmem>>, %arg3: memref<3x2048xf32, #tpu.memory_space<vmem>>, %arg4: memref<1x2048xf32, #tpu.memory_space<vmem>>, %arg5: memref<512x3xi32, #tpu.memory_space<vmem>>, %arg6: memref<512x128xf32, #tpu.memory_space<vmem>>) attributes {dimension_semantics = [#tpu.dimension_semantics<arbitrary>], iteration_bounds = array<i64: 16>, scalar_prefetch = 0 : i64, scratch_operands = 0 : i64, tpu.core_type = #tpu.core_type<tc>, window_params = [{transform_indices = @transform_0, window_bounds = array<i64: 512, 3>}, {transform_indices = @transform_1, window_bounds = array<i64: 512, 1>}, {pipeline_mode = #tpu.pipeline_mode<synchronous>, transform_indices = @transform_2, window_bounds = array<i64: 3, 2048>}, {pipeline_mode = #tpu.pipeline_mode<synchronous>, transform_indices = @transform_3, window_bounds = array<i64: 1, 2048>}, {transform_indices = @transform_4, window_bounds = array<i64: 512, 3>}, {transform_indices = @transform_5, window_bounds = array<i64: 512, 128>}]} {
    %get3A = arith.constant 0 : index
    %get3A_0 = arith.constant 0 : index
    %get3A_1 = vector.load %arg1[%get3A, %get3A_0] : memref<512x3xf32, #tpu.memory_space<vmem>>, vector<512x3xf32>
    %get3A_2 = arith.constant 0 : index
    %get3A_3 = arith.constant 0 : index
    %get3A_4 = vector.load %arg3[%get3A_2, %get3A_3] : memref<3x2048xf32, #tpu.memory_space<vmem>>, vector<3x2048xf32>
    %dot_general3A = arith.constant dense<0.000000e+00> : vector<512x2048xf32>
    %dot_general3A_5 = tpu.matmul %get3A_1, %get3A_4, %dot_general3A {dimension_numbers = #tpu.dot_dimension_numbers<[1], [0], [0], [1], [0, 0, 1, 1], [], []>, transpose_lhs_hint = false} : vector<512x3xf32>, vector<3x2048xf32>, vector<512x2048xf32> -> vector<512x2048xf32>
    %slice3A = vector.extract_strided_slice %get3A_1 {offsets = [0, 0], sizes = [512, 1], strides = [1, 1]} : vector<512x3xf32> to vector<512x1xf32>
    %slice3A_6 = vector.extract_strided_slice %get3A_1 {offsets = [0, 0], sizes = [512, 1], strides = [1, 1]} : vector<512x3xf32> to vector<512x1xf32>
    %mul3A = arith.mulf %slice3A, %slice3A_6 : vector<512x1xf32>
    %slice3A_7 = vector.extract_strided_slice %get3A_1 {offsets = [0, 1], sizes = [512, 1], strides = [1, 1]} : vector<512x3xf32> to vector<512x1xf32>
    %slice3A_8 = vector.extract_strided_slice %get3A_1 {offsets = [0, 1], sizes = [512, 1], strides = [1, 1]} : vector<512x3xf32> to vector<512x1xf32>
    %mul3A_9 = arith.mulf %slice3A_7, %slice3A_8 : vector<512x1xf32>
    %add3A = arith.addf %mul3A, %mul3A_9 : vector<512x1xf32>
    %slice3A_10 = vector.extract_strided_slice %get3A_1 {offsets = [0, 2], sizes = [512, 1], strides = [1, 1]} : vector<512x3xf32> to vector<512x1xf32>
    %slice3A_11 = vector.extract_strided_slice %get3A_1 {offsets = [0, 2], sizes = [512, 1], strides = [1, 1]} : vector<512x3xf32> to vector<512x1xf32>
    %mul3A_12 = arith.mulf %slice3A_10, %slice3A_11 : vector<512x1xf32>
    %add3A_13 = arith.addf %add3A, %mul3A_12 : vector<512x1xf32>
    %slice3A_14 = vector.extract_strided_slice %get3A_4 {offsets = [0, 0], sizes = [1, 2048], strides = [1, 1]} : vector<3x2048xf32> to vector<1x2048xf32>
    %slice3A_15 = vector.extract_strided_slice %get3A_4 {offsets = [0, 0], sizes = [1, 2048], strides = [1, 1]} : vector<3x2048xf32> to vector<1x2048xf32>
    %mul3A_16 = arith.mulf %slice3A_14, %slice3A_15 : vector<1x2048xf32>
    %slice3A_17 = vector.extract_strided_slice %get3A_4 {offsets = [1, 0], sizes = [1, 2048], strides = [1, 1]} : vector<3x2048xf32> to vector<1x2048xf32>
    %slice3A_18 = vector.extract_strided_slice %get3A_4 {offsets = [1, 0], sizes = [1, 2048], strides = [1, 1]} : vector<3x2048xf32> to vector<1x2048xf32>
    %mul3A_19 = arith.mulf %slice3A_17, %slice3A_18 : vector<1x2048xf32>
    %add3A_20 = arith.addf %mul3A_16, %mul3A_19 : vector<1x2048xf32>
    %slice3A_21 = vector.extract_strided_slice %get3A_4 {offsets = [2, 0], sizes = [1, 2048], strides = [1, 1]} : vector<3x2048xf32> to vector<1x2048xf32>
    %slice3A_22 = vector.extract_strided_slice %get3A_4 {offsets = [2, 0], sizes = [1, 2048], strides = [1, 1]} : vector<3x2048xf32> to vector<1x2048xf32>
    %mul3A_23 = arith.mulf %slice3A_21, %slice3A_22 : vector<1x2048xf32>
    %add3A_24 = arith.addf %add3A_20, %mul3A_23 : vector<1x2048xf32>
    %add3A_25 = vector.broadcast %add3A_13 : vector<512x1xf32> to vector<512x2048xf32>
    %add3A_26 = vector.broadcast %add3A_24 : vector<1x2048xf32> to vector<512x2048xf32>
    %add3A_27 = arith.addf %add3A_25, %add3A_26 : vector<512x2048xf32>
    %mul3A_28 = arith.constant 2.000000e+00 : f32
    %mul3A_29 = vector.broadcast %mul3A_28 : f32 to vector<512x2048xf32>
    %mul3A_30 = arith.mulf %mul3A_29, %dot_general3A_5 : vector<512x2048xf32>
    %sub3A = arith.subf %add3A_27, %mul3A_30 : vector<512x2048xf32>
    %get3A_31 = arith.constant 0 : index
    %get3A_32 = arith.constant 0 : index
    %get3A_33 = vector.load %arg2[%get3A_31, %get3A_32] : memref<512x1xf32, #tpu.memory_space<vmem>>, vector<512x1xf32>
    %get3A_34 = arith.constant 0 : index
    %get3A_35 = arith.constant 0 : index
    %get3A_36 = vector.load %arg4[%get3A_34, %get3A_35] : memref<1x2048xf32, #tpu.memory_space<vmem>>, vector<1x2048xf32>
    %eq3A = vector.broadcast %get3A_33 : vector<512x1xf32> to vector<512x2048xf32>
    %eq3A_37 = vector.broadcast %get3A_36 : vector<1x2048xf32> to vector<512x2048xf32>
    %eq3A_38 = arith.cmpf oeq, %eq3A, %eq3A_37 : vector<512x2048xf32>
    %jit3A = arith.constant 1.000000e+10 : f32
    %broadcast_in_dim3A = vector.broadcast %jit3A : f32 to vector<512x2048xf32>
    %select_n3A = arith.select %eq3A_38, %sub3A, %broadcast_in_dim3A : vector<512x2048xi1>, vector<512x2048xf32>
    %slice3A_39 = vector.extract_strided_slice %get3A_1 {offsets = [0, 0], sizes = [512, 1], strides = [1, 1]} : vector<512x3xf32> to vector<512x1xf32>
    %slice3A_40 = vector.extract_strided_slice %get3A_4 {offsets = [0, 0], sizes = [1, 2048], strides = [1, 1]} : vector<3x2048xf32> to vector<1x2048xf32>
    %sub3A_41 = vector.broadcast %slice3A_39 : vector<512x1xf32> to vector<512x2048xf32>
    %sub3A_42 = vector.broadcast %slice3A_40 : vector<1x2048xf32> to vector<512x2048xf32>
    %sub3A_43 = arith.subf %sub3A_41, %sub3A_42 : vector<512x2048xf32>
    %mul3A_44 = arith.mulf %sub3A_43, %sub3A_43 : vector<512x2048xf32>
    %slice3A_45 = vector.extract_strided_slice %get3A_1 {offsets = [0, 1], sizes = [512, 1], strides = [1, 1]} : vector<512x3xf32> to vector<512x1xf32>
    %slice3A_46 = vector.extract_strided_slice %get3A_4 {offsets = [1, 0], sizes = [1, 2048], strides = [1, 1]} : vector<3x2048xf32> to vector<1x2048xf32>
    %sub3A_47 = vector.broadcast %slice3A_45 : vector<512x1xf32> to vector<512x2048xf32>
    %sub3A_48 = vector.broadcast %slice3A_46 : vector<1x2048xf32> to vector<512x2048xf32>
    %sub3A_49 = arith.subf %sub3A_47, %sub3A_48 : vector<512x2048xf32>
    %mul3A_50 = arith.mulf %sub3A_49, %sub3A_49 : vector<512x2048xf32>
    %add3A_51 = arith.addf %mul3A_44, %mul3A_50 : vector<512x2048xf32>
    %slice3A_52 = vector.extract_strided_slice %get3A_1 {offsets = [0, 2], sizes = [512, 1], strides = [1, 1]} : vector<512x3xf32> to vector<512x1xf32>
    %slice3A_53 = vector.extract_strided_slice %get3A_4 {offsets = [2, 0], sizes = [1, 2048], strides = [1, 1]} : vector<3x2048xf32> to vector<1x2048xf32>
    %sub3A_54 = vector.broadcast %slice3A_52 : vector<512x1xf32> to vector<512x2048xf32>
    %sub3A_55 = vector.broadcast %slice3A_53 : vector<1x2048xf32> to vector<512x2048xf32>
    %sub3A_56 = arith.subf %sub3A_54, %sub3A_55 : vector<512x2048xf32>
    %mul3A_57 = arith.mulf %sub3A_56, %sub3A_56 : vector<512x2048xf32>
    %add3A_58 = arith.addf %add3A_51, %mul3A_57 : vector<512x2048xf32>
    %iota3A = tpu.iota {dimensions = array<i32: 1>} : vector<512x2048xi32>
    %reduce_min3A = arith.constant dense<0x7F800000> : vector<512xf32>
    %reduce_min3A_59 = vector.multi_reduction <minimumf>, %select_n3A, %reduce_min3A [1] : vector<512x2048xf32> to vector<512xf32>
    %broadcast_in_dim3A_60 = vector.shape_cast %reduce_min3A_59 : vector<512xf32> to vector<512x1xf32>
    %eq3A_61 = vector.broadcast %broadcast_in_dim3A_60 : vector<512x1xf32> to vector<512x2048xf32>
    %eq3A_62 = arith.cmpf oeq, %select_n3A, %eq3A_61 : vector<512x2048xf32>
    %jit3A_63 = arith.constant 2048 : i32
    %broadcast_in_dim3A_64 = vector.broadcast %jit3A_63 : i32 to vector<512x2048xi32>
    %select_n3A_65 = arith.select %eq3A_62, %iota3A, %broadcast_in_dim3A_64 : vector<512x2048xi1>, vector<512x2048xi32>
    %reduce_min3A_66 = arith.constant dense<2147483647> : vector<512xi32>
    %reduce_min3A_67 = vector.multi_reduction <minsi>, %select_n3A_65, %reduce_min3A_66 [1] : vector<512x2048xi32> to vector<512xi32>
    %broadcast_in_dim3A_68 = vector.shape_cast %reduce_min3A_67 : vector<512xi32> to vector<512x1xi32>
    %min3A = arith.constant 2047 : i32
    %min3A_69 = vector.broadcast %min3A : i32 to vector<512x1xi32>
    %min3A_70 = arith.minsi %broadcast_in_dim3A_68, %min3A_69 : vector<512x1xi32>
    %jit3A_71 = arith.constant 1.000000e+30 : f32
    %broadcast_in_dim3A_72 = vector.broadcast %jit3A_71 : f32 to vector<512x2048xf32>
    %select_n3A_73 = arith.select %eq3A_62, %broadcast_in_dim3A_72, %select_n3A : vector<512x2048xi1>, vector<512x2048xf32>
    %reduce_min3A_74 = arith.constant dense<0x7F800000> : vector<512xf32>
    %reduce_min3A_75 = vector.multi_reduction <minimumf>, %select_n3A_73, %reduce_min3A_74 [1] : vector<512x2048xf32> to vector<512xf32>
    %broadcast_in_dim3A_76 = vector.shape_cast %reduce_min3A_75 : vector<512xf32> to vector<512x1xf32>
    %eq3A_77 = vector.broadcast %broadcast_in_dim3A_76 : vector<512x1xf32> to vector<512x2048xf32>
    %eq3A_78 = arith.cmpf oeq, %select_n3A_73, %eq3A_77 : vector<512x2048xf32>
    %jit3A_79 = arith.constant 2048 : i32
    %broadcast_in_dim3A_80 = vector.broadcast %jit3A_79 : i32 to vector<512x2048xi32>
    %select_n3A_81 = arith.select %eq3A_78, %iota3A, %broadcast_in_dim3A_80 : vector<512x2048xi1>, vector<512x2048xi32>
    %reduce_min3A_82 = arith.constant dense<2147483647> : vector<512xi32>
    %reduce_min3A_83 = vector.multi_reduction <minsi>, %select_n3A_81, %reduce_min3A_82 [1] : vector<512x2048xi32> to vector<512xi32>
    %broadcast_in_dim3A_84 = vector.shape_cast %reduce_min3A_83 : vector<512xi32> to vector<512x1xi32>
    %min3A_85 = arith.constant 2047 : i32
    %min3A_86 = vector.broadcast %min3A_85 : i32 to vector<512x1xi32>
    %min3A_87 = arith.minsi %broadcast_in_dim3A_84, %min3A_86 : vector<512x1xi32>
    %jit3A_88 = arith.constant 1.000000e+30 : f32
    %broadcast_in_dim3A_89 = vector.broadcast %jit3A_88 : f32 to vector<512x2048xf32>
    %select_n3A_90 = arith.select %eq3A_78, %broadcast_in_dim3A_89, %select_n3A_73 : vector<512x2048xi1>, vector<512x2048xf32>
    %reduce_min3A_91 = arith.constant dense<0x7F800000> : vector<512xf32>
    %reduce_min3A_92 = vector.multi_reduction <minimumf>, %select_n3A_90, %reduce_min3A_91 [1] : vector<512x2048xf32> to vector<512xf32>
    %broadcast_in_dim3A_93 = vector.shape_cast %reduce_min3A_92 : vector<512xf32> to vector<512x1xf32>
    %eq3A_94 = vector.broadcast %broadcast_in_dim3A_93 : vector<512x1xf32> to vector<512x2048xf32>
    %eq3A_95 = arith.cmpf oeq, %select_n3A_90, %eq3A_94 : vector<512x2048xf32>
    %jit3A_96 = arith.constant 2048 : i32
    %broadcast_in_dim3A_97 = vector.broadcast %jit3A_96 : i32 to vector<512x2048xi32>
    %select_n3A_98 = arith.select %eq3A_95, %iota3A, %broadcast_in_dim3A_97 : vector<512x2048xi1>, vector<512x2048xi32>
    %reduce_min3A_99 = arith.constant dense<2147483647> : vector<512xi32>
    %reduce_min3A_100 = vector.multi_reduction <minsi>, %select_n3A_98, %reduce_min3A_99 [1] : vector<512x2048xi32> to vector<512xi32>
    %broadcast_in_dim3A_101 = vector.shape_cast %reduce_min3A_100 : vector<512xi32> to vector<512x1xi32>
    %min3A_102 = arith.constant 2047 : i32
    %min3A_103 = vector.broadcast %min3A_102 : i32 to vector<512x1xi32>
    %min3A_104 = arith.minsi %broadcast_in_dim3A_101, %min3A_103 : vector<512x1xi32>
    %jit3A_105 = arith.constant 0.000000e+00 : f32
    %broadcast_in_dim3A_106 = vector.broadcast %jit3A_105 : f32 to vector<512x2048xf32>
    %select_n3A_107 = arith.select %eq3A_62, %add3A_58, %broadcast_in_dim3A_106 : vector<512x2048xi1>, vector<512x2048xf32>
    %reduce_sum3A = arith.constant dense<0.000000e+00> : vector<512xf32>
    %reduce_sum3A_108 = vector.multi_reduction <add>, %select_n3A_107, %reduce_sum3A [1] : vector<512x2048xf32> to vector<512xf32>
    %broadcast_in_dim3A_109 = vector.shape_cast %reduce_sum3A_108 : vector<512xf32> to vector<512x1xf32>
    %lt3A = arith.constant 1.000000e+09 : f32
    %lt3A_110 = vector.broadcast %lt3A : f32 to vector<512x1xf32>
    %lt3A_111 = arith.cmpf olt, %broadcast_in_dim3A_60, %lt3A_110 : vector<512x1xf32>
    %sqrt3A = math.sqrt %broadcast_in_dim3A_109 : vector<512x1xf32>
    %add3A_112 = arith.constant 9.99999993E-9 : f32
    %add3A_113 = vector.broadcast %add3A_112 : f32 to vector<512x1xf32>
    %add3A_114 = arith.addf %sqrt3A, %add3A_113 : vector<512x1xf32>
    %div3A = arith.constant 1.000000e+00 : f32
    %div3A_115 = vector.broadcast %div3A : f32 to vector<512x1xf32>
    %div3A_116 = arith.divf %div3A_115, %add3A_114 : vector<512x1xf32>
    %jit3A_117 = arith.constant 0.000000e+00 : f32
    %broadcast_in_dim3A_118 = vector.broadcast %jit3A_117 : f32 to vector<512x1xf32>
    %select_n3A_119 = arith.select %lt3A_111, %div3A_116, %broadcast_in_dim3A_118 : vector<512x1xi1>, vector<512x1xf32>
    %jit3A_120 = arith.constant 0.000000e+00 : f32
    %broadcast_in_dim3A_121 = vector.broadcast %jit3A_120 : f32 to vector<512x2048xf32>
    %select_n3A_122 = arith.select %eq3A_78, %add3A_58, %broadcast_in_dim3A_121 : vector<512x2048xi1>, vector<512x2048xf32>
    %reduce_sum3A_123 = arith.constant dense<0.000000e+00> : vector<512xf32>
    %reduce_sum3A_124 = vector.multi_reduction <add>, %select_n3A_122, %reduce_sum3A_123 [1] : vector<512x2048xf32> to vector<512xf32>
    %broadcast_in_dim3A_125 = vector.shape_cast %reduce_sum3A_124 : vector<512xf32> to vector<512x1xf32>
    %lt3A_126 = arith.constant 1.000000e+09 : f32
    %lt3A_127 = vector.broadcast %lt3A_126 : f32 to vector<512x1xf32>
    %lt3A_128 = arith.cmpf olt, %broadcast_in_dim3A_76, %lt3A_127 : vector<512x1xf32>
    %sqrt3A_129 = math.sqrt %broadcast_in_dim3A_125 : vector<512x1xf32>
    %add3A_130 = arith.constant 9.99999993E-9 : f32
    %add3A_131 = vector.broadcast %add3A_130 : f32 to vector<512x1xf32>
    %add3A_132 = arith.addf %sqrt3A_129, %add3A_131 : vector<512x1xf32>
    %div3A_133 = arith.constant 1.000000e+00 : f32
    %div3A_134 = vector.broadcast %div3A_133 : f32 to vector<512x1xf32>
    %div3A_135 = arith.divf %div3A_134, %add3A_132 : vector<512x1xf32>
    %jit3A_136 = arith.constant 0.000000e+00 : f32
    %broadcast_in_dim3A_137 = vector.broadcast %jit3A_136 : f32 to vector<512x1xf32>
    %select_n3A_138 = arith.select %lt3A_128, %div3A_135, %broadcast_in_dim3A_137 : vector<512x1xi1>, vector<512x1xf32>
    %jit3A_139 = arith.constant 0.000000e+00 : f32
    %broadcast_in_dim3A_140 = vector.broadcast %jit3A_139 : f32 to vector<512x2048xf32>
    %select_n3A_141 = arith.select %eq3A_95, %add3A_58, %broadcast_in_dim3A_140 : vector<512x2048xi1>, vector<512x2048xf32>
    %reduce_sum3A_142 = arith.constant dense<0.000000e+00> : vector<512xf32>
    %reduce_sum3A_143 = vector.multi_reduction <add>, %select_n3A_141, %reduce_sum3A_142 [1] : vector<512x2048xf32> to vector<512xf32>
    %broadcast_in_dim3A_144 = vector.shape_cast %reduce_sum3A_143 : vector<512xf32> to vector<512x1xf32>
    %lt3A_145 = arith.constant 1.000000e+09 : f32
    %lt3A_146 = vector.broadcast %lt3A_145 : f32 to vector<512x1xf32>
    %lt3A_147 = arith.cmpf olt, %broadcast_in_dim3A_93, %lt3A_146 : vector<512x1xf32>
    %sqrt3A_148 = math.sqrt %broadcast_in_dim3A_144 : vector<512x1xf32>
    %add3A_149 = arith.constant 9.99999993E-9 : f32
    %add3A_150 = vector.broadcast %add3A_149 : f32 to vector<512x1xf32>
    %add3A_151 = arith.addf %sqrt3A_148, %add3A_150 : vector<512x1xf32>
    %div3A_152 = arith.constant 1.000000e+00 : f32
    %div3A_153 = vector.broadcast %div3A_152 : f32 to vector<512x1xf32>
    %div3A_154 = arith.divf %div3A_153, %add3A_151 : vector<512x1xf32>
    %jit3A_155 = arith.constant 0.000000e+00 : f32
    %broadcast_in_dim3A_156 = vector.broadcast %jit3A_155 : f32 to vector<512x1xf32>
    %select_n3A_157 = arith.select %lt3A_147, %div3A_154, %broadcast_in_dim3A_156 : vector<512x1xi1>, vector<512x1xf32>
    %add3A_158 = arith.addf %select_n3A_119, %select_n3A_138 : vector<512x1xf32>
    %add3A_159 = arith.addf %add3A_158, %select_n3A_157 : vector<512x1xf32>
    %div3A_160 = arith.constant 1.000000e+00 : f32
    %div3A_161 = vector.broadcast %div3A_160 : f32 to vector<512x1xf32>
    %div3A_162 = arith.divf %div3A_161, %add3A_159 : vector<512x1xf32>
    %concatenate3A = tpu.concatenate %min3A_70, %min3A_87, %min3A_104 in 1 : vector<512x1xi32>, vector<512x1xi32>, vector<512x1xi32> -> vector<512x3xi32>
    %swap3A = arith.constant 0 : index
    %swap3A_163 = arith.constant 0 : index
    %swap3A_164 = vector.load %arg5[%swap3A, %swap3A_163] : memref<512x3xi32, #tpu.memory_space<vmem>>, vector<512x3xi32>
    tpu.vector_store %arg5[%swap3A, %swap3A_163], %concatenate3A {strides = array<i32>} : memref<512x3xi32, #tpu.memory_space<vmem>>, vector<512x3xi32>,
    %mul3A_165 = arith.mulf %select_n3A_119, %div3A_162 : vector<512x1xf32>
    %broadcast_in_dim3A_166 = vector.shape_cast %mul3A_165 : vector<512x1xf32> to vector<512x1xf32>
    %broadcast_in_dim3A_167 = vector.broadcast %broadcast_in_dim3A_166 : vector<512x1xf32> to vector<512x16xf32>
    %mul3A_168 = arith.mulf %select_n3A_138, %div3A_162 : vector<512x1xf32>
    %broadcast_in_dim3A_169 = vector.shape_cast %mul3A_168 : vector<512x1xf32> to vector<512x1xf32>
    %broadcast_in_dim3A_170 = vector.broadcast %broadcast_in_dim3A_169 : vector<512x1xf32> to vector<512x16xf32>
    %mul3A_171 = arith.mulf %select_n3A_157, %div3A_162 : vector<512x1xf32>
    %broadcast_in_dim3A_172 = vector.shape_cast %mul3A_171 : vector<512x1xf32> to vector<512x1xf32>
    %broadcast_in_dim3A_173 = vector.broadcast %broadcast_in_dim3A_172 : vector<512x1xf32> to vector<512x16xf32>
    %broadcast_in_dim3A_174 = arith.constant 0.000000e+00 : f32
    %broadcast_in_dim3A_175 = vector.broadcast %broadcast_in_dim3A_174 : f32 to vector<512x80xf32>
    %concatenate3A_176 = tpu.concatenate %broadcast_in_dim3A_167, %broadcast_in_dim3A_170, %broadcast_in_dim3A_173, %broadcast_in_dim3A_175 in 1 : vector<512x16xf32>, vector<512x16xf32>, vector<512x16xf32>, vector<512x80xf32> -> vector<512x128xf32>
    %swap3A_177 = arith.constant 0 : index
    %swap3A_178 = arith.constant 0 : index
    %swap3A_179 = vector.load %arg6[%swap3A_177, %swap3A_178] : memref<512x128xf32, #tpu.memory_space<vmem>>, vector<512x128xf32>
    tpu.vector_store %arg6[%swap3A_177, %swap3A_178], %concatenate3A_176 {strides = array<i32>} : memref<512x128xf32, #tpu.memory_space<vmem>>, vector<512x128xf32>,
    return
  }
  func.func @transform_0(%arg0: i32) -> (i32, i32) {
    %c0_i32 = arith.constant 0 : i32
    %c0_i32_0 = arith.constant 0 : i32
    return %arg0, %c0_i32 : i32, i32
  }
  func.func @transform_1(%arg0: i32) -> (i32, i32) {
    %c0_i32 = arith.constant 0 : i32
    %c0_i32_0 = arith.constant 0 : i32
    return %arg0, %c0_i32 : i32, i32
  }
  func.func @transform_2(%arg0: i32) -> (i32, i32) {
    %c0_i32 = arith.constant 0 : i32
    %c0_i32_0 = arith.constant 0 : i32
    %c0_i32_1 = arith.constant 0 : i32
    return %c0_i32, %c0_i32_0 : i32, i32
  }
  func.func @transform_3(%arg0: i32) -> (i32, i32) {
    %c0_i32 = arith.constant 0 : i32
    %c0_i32_0 = arith.constant 0 : i32
    %c0_i32_1 = arith.constant 0 : i32
    return %c0_i32, %c0_i32_0 : i32, i32
  }
  func.func @transform_4(%arg0: i32) -> (i32, i32) {
    %c0_i32 = arith.constant 0 : i32
    %c0_i32_0 = arith.constant 0 : i32
    return %arg0, %c0_i32 : i32, i32
  }
  func.func @transform_5(%arg0: i32) -> (i32, i32) {
    %c0_i32 = arith.constant 0 : i32
    %c0_i32_0 = arith.constant 0 : i32
    return %arg0, %c0_i32 : i32, i32
  }
}

module attributes {stable_mosaic.version = 14 : i64} {
  func.func @_stats_kernel(%arg0: memref<8192x256xf32, #tpu.memory_space<vmem>>, %arg1: memref<2048x256xf32, #tpu.memory_space<vmem>>, %arg2: memref<256x256xf32, #tpu.memory_space<vmem>>, %arg3: memref<256x256xf32, #tpu.memory_space<vmem>>, %arg4: memref<3x256xf32, #tpu.memory_space<vmem>>, %arg5: memref<3x256xf32, #tpu.memory_space<vmem>>, %arg6: memref<8192x256xf32, #tpu.memory_space<vmem>>, %arg7: memref<2048x256xf32, #tpu.memory_space<vmem>>) attributes {dimension_semantics = [], scalar_prefetch = 0 : i64, scratch_operands = 0 : i64, tpu.core_type = #tpu.core_type<tc>} {
    %get3A = arith.constant 0 : index
    %get3A_0 = arith.constant 0 : index
    %get3A_1 = vector.load %arg4[%get3A, %get3A_0] : memref<3x256xf32, #tpu.memory_space<vmem>>, vector<1x256xf32>
    %get3A_2 = arith.constant 1 : index
    %get3A_3 = arith.constant 0 : index
    %get3A_4 = vector.load %arg4[%get3A_2, %get3A_3] : memref<3x256xf32, #tpu.memory_space<vmem>>, vector<1x256xf32>
    %get3A_5 = arith.constant 2 : index
    %get3A_6 = arith.constant 0 : index
    %get3A_7 = vector.load %arg4[%get3A_5, %get3A_6] : memref<3x256xf32, #tpu.memory_space<vmem>>, vector<1x256xf32>
    %get3A_8 = arith.constant 0 : index
    %get3A_9 = arith.constant 0 : index
    %get3A_10 = vector.load %arg0[%get3A_8, %get3A_9] : memref<8192x256xf32, #tpu.memory_space<vmem>>, vector<8192x256xf32>
    %get3A_11 = arith.constant 0 : index
    %get3A_12 = arith.constant 0 : index
    %get3A_13 = vector.load %arg2[%get3A_11, %get3A_12] : memref<256x256xf32, #tpu.memory_space<vmem>>, vector<256x256xf32>
    %dot_general3A = arith.constant dense<0.000000e+00> : vector<8192x256xf32>
    %dot_general3A_14 = tpu.matmul %get3A_10, %get3A_13, %dot_general3A {dimension_numbers = #tpu.dot_dimension_numbers<[1], [0], [0], [1], [0, 0, 1, 1], [], []>, transpose_lhs_hint = false} : vector<8192x256xf32>, vector<256x256xf32>, vector<8192x256xf32> -> vector<8192x256xf32>
    %add3A = vector.broadcast %get3A_1 : vector<1x256xf32> to vector<8192x256xf32>
    %add3A_15 = arith.addf %dot_general3A_14, %add3A : vector<8192x256xf32>
    %reduce_sum3A = arith.constant dense<0.000000e+00> : vector<256xf32>
    %reduce_sum3A_16 = vector.multi_reduction <add>, %add3A_15, %reduce_sum3A [0] : vector<8192x256xf32> to vector<256xf32>
    %broadcast_in_dim3A = vector.shape_cast %reduce_sum3A_16 : vector<256xf32> to vector<1x256xf32>
    %div3A = arith.constant 8.192000e+03 : f32
    %div3A_17 = vector.broadcast %div3A : f32 to vector<1x256xf32>
    %div3A_18 = arith.divf %broadcast_in_dim3A, %div3A_17 : vector<1x256xf32>
    %sub3A = vector.broadcast %div3A_18 : vector<1x256xf32> to vector<8192x256xf32>
    %sub3A_19 = arith.subf %add3A_15, %sub3A : vector<8192x256xf32>
    %sub3A_20 = vector.broadcast %div3A_18 : vector<1x256xf32> to vector<8192x256xf32>
    %sub3A_21 = arith.subf %add3A_15, %sub3A_20 : vector<8192x256xf32>
    %mul3A = arith.mulf %sub3A_19, %sub3A_21 : vector<8192x256xf32>
    %reduce_sum3A_22 = arith.constant dense<0.000000e+00> : vector<256xf32>
    %reduce_sum3A_23 = vector.multi_reduction <add>, %mul3A, %reduce_sum3A_22 [0] : vector<8192x256xf32> to vector<256xf32>
    %broadcast_in_dim3A_24 = vector.shape_cast %reduce_sum3A_23 : vector<256xf32> to vector<1x256xf32>
    %div3A_25 = arith.constant 8.192000e+03 : f32
    %div3A_26 = vector.broadcast %div3A_25 : f32 to vector<1x256xf32>
    %div3A_27 = arith.divf %broadcast_in_dim3A_24, %div3A_26 : vector<1x256xf32>
    %add3A_28 = arith.constant 9.99999974E-6 : f32
    %add3A_29 = vector.broadcast %add3A_28 : f32 to vector<1x256xf32>
    %add3A_30 = arith.addf %div3A_27, %add3A_29 : vector<1x256xf32>
    %rsqrt3A = math.rsqrt %add3A_30 : vector<1x256xf32>
    %mul3A_31 = arith.mulf %get3A_4, %rsqrt3A : vector<1x256xf32>
    %mul3A_32 = vector.broadcast %mul3A_31 : vector<1x256xf32> to vector<8192x256xf32>
    %mul3A_33 = arith.mulf %add3A_15, %mul3A_32 : vector<8192x256xf32>
    %mul3A_34 = arith.mulf %div3A_18, %mul3A_31 : vector<1x256xf32>
    %sub3A_35 = arith.subf %get3A_7, %mul3A_34 : vector<1x256xf32>
    %add3A_36 = vector.broadcast %sub3A_35 : vector<1x256xf32> to vector<8192x256xf32>
    %add3A_37 = arith.addf %mul3A_33, %add3A_36 : vector<8192x256xf32>
    %max3A = arith.constant 0.000000e+00 : f32
    %max3A_38 = vector.broadcast %max3A : f32 to vector<8192x256xf32>
    %max3A_39 = arith.maximumf %add3A_37, %max3A_38 : vector<8192x256xf32>
    %swap3A = arith.constant 0 : index
    %swap3A_40 = arith.constant 0 : index
    %swap3A_41 = vector.load %arg6[%swap3A, %swap3A_40] : memref<8192x256xf32, #tpu.memory_space<vmem>>, vector<8192x256xf32>
    tpu.vector_store %arg6[%swap3A, %swap3A_40], %max3A_39 {strides = array<i32>} : memref<8192x256xf32, #tpu.memory_space<vmem>>, vector<8192x256xf32>,
    %get3A_42 = arith.constant 0 : index
    %get3A_43 = arith.constant 0 : index
    %get3A_44 = vector.load %arg5[%get3A_42, %get3A_43] : memref<3x256xf32, #tpu.memory_space<vmem>>, vector<1x256xf32>
    %get3A_45 = arith.constant 1 : index
    %get3A_46 = arith.constant 0 : index
    %get3A_47 = vector.load %arg5[%get3A_45, %get3A_46] : memref<3x256xf32, #tpu.memory_space<vmem>>, vector<1x256xf32>
    %get3A_48 = arith.constant 2 : index
    %get3A_49 = arith.constant 0 : index
    %get3A_50 = vector.load %arg5[%get3A_48, %get3A_49] : memref<3x256xf32, #tpu.memory_space<vmem>>, vector<1x256xf32>
    %get3A_51 = arith.constant 0 : index
    %get3A_52 = arith.constant 0 : index
    %get3A_53 = vector.load %arg1[%get3A_51, %get3A_52] : memref<2048x256xf32, #tpu.memory_space<vmem>>, vector<2048x256xf32>
    %get3A_54 = arith.constant 0 : index
    %get3A_55 = arith.constant 0 : index
    %get3A_56 = vector.load %arg3[%get3A_54, %get3A_55] : memref<256x256xf32, #tpu.memory_space<vmem>>, vector<256x256xf32>
    %dot_general3A_57 = arith.constant dense<0.000000e+00> : vector<2048x256xf32>
    %dot_general3A_58 = tpu.matmul %get3A_53, %get3A_56, %dot_general3A_57 {dimension_numbers = #tpu.dot_dimension_numbers<[1], [0], [0], [1], [0, 0, 1, 1], [], []>, transpose_lhs_hint = false} : vector<2048x256xf32>, vector<256x256xf32>, vector<2048x256xf32> -> vector<2048x256xf32>
    %add3A_59 = vector.broadcast %get3A_44 : vector<1x256xf32> to vector<2048x256xf32>
    %add3A_60 = arith.addf %dot_general3A_58, %add3A_59 : vector<2048x256xf32>
    %reduce_sum3A_61 = arith.constant dense<0.000000e+00> : vector<256xf32>
    %reduce_sum3A_62 = vector.multi_reduction <add>, %add3A_60, %reduce_sum3A_61 [0] : vector<2048x256xf32> to vector<256xf32>
    %broadcast_in_dim3A_63 = vector.shape_cast %reduce_sum3A_62 : vector<256xf32> to vector<1x256xf32>
    %div3A_64 = arith.constant 2.048000e+03 : f32
    %div3A_65 = vector.broadcast %div3A_64 : f32 to vector<1x256xf32>
    %div3A_66 = arith.divf %broadcast_in_dim3A_63, %div3A_65 : vector<1x256xf32>
    %sub3A_67 = vector.broadcast %div3A_66 : vector<1x256xf32> to vector<2048x256xf32>
    %sub3A_68 = arith.subf %add3A_60, %sub3A_67 : vector<2048x256xf32>
    %sub3A_69 = vector.broadcast %div3A_66 : vector<1x256xf32> to vector<2048x256xf32>
    %sub3A_70 = arith.subf %add3A_60, %sub3A_69 : vector<2048x256xf32>
    %mul3A_71 = arith.mulf %sub3A_68, %sub3A_70 : vector<2048x256xf32>
    %reduce_sum3A_72 = arith.constant dense<0.000000e+00> : vector<256xf32>
    %reduce_sum3A_73 = vector.multi_reduction <add>, %mul3A_71, %reduce_sum3A_72 [0] : vector<2048x256xf32> to vector<256xf32>
    %broadcast_in_dim3A_74 = vector.shape_cast %reduce_sum3A_73 : vector<256xf32> to vector<1x256xf32>
    %div3A_75 = arith.constant 2.048000e+03 : f32
    %div3A_76 = vector.broadcast %div3A_75 : f32 to vector<1x256xf32>
    %div3A_77 = arith.divf %broadcast_in_dim3A_74, %div3A_76 : vector<1x256xf32>
    %add3A_78 = arith.constant 9.99999974E-6 : f32
    %add3A_79 = vector.broadcast %add3A_78 : f32 to vector<1x256xf32>
    %add3A_80 = arith.addf %div3A_77, %add3A_79 : vector<1x256xf32>
    %rsqrt3A_81 = math.rsqrt %add3A_80 : vector<1x256xf32>
    %mul3A_82 = arith.mulf %get3A_47, %rsqrt3A_81 : vector<1x256xf32>
    %mul3A_83 = vector.broadcast %mul3A_82 : vector<1x256xf32> to vector<2048x256xf32>
    %mul3A_84 = arith.mulf %add3A_60, %mul3A_83 : vector<2048x256xf32>
    %mul3A_85 = arith.mulf %div3A_66, %mul3A_82 : vector<1x256xf32>
    %sub3A_86 = arith.subf %get3A_50, %mul3A_85 : vector<1x256xf32>
    %add3A_87 = vector.broadcast %sub3A_86 : vector<1x256xf32> to vector<2048x256xf32>
    %add3A_88 = arith.addf %mul3A_84, %add3A_87 : vector<2048x256xf32>
    %max3A_89 = arith.constant 0.000000e+00 : f32
    %max3A_90 = vector.broadcast %max3A_89 : f32 to vector<2048x256xf32>
    %max3A_91 = arith.maximumf %add3A_88, %max3A_90 : vector<2048x256xf32>
    %swap3A_92 = arith.constant 0 : index
    %swap3A_93 = arith.constant 0 : index
    %swap3A_94 = vector.load %arg7[%swap3A_92, %swap3A_93] : memref<2048x256xf32, #tpu.memory_space<vmem>>, vector<2048x256xf32>
    tpu.vector_store %arg7[%swap3A_92, %swap3A_93], %max3A_91 {strides = array<i32>} : memref<2048x256xf32, #tpu.memory_space<vmem>>, vector<2048x256xf32>,
    return
  }
}

</mosaic_0001>

<sc_bundles>
// kernel: kernel.5.cloned.1.call-start
scs
__scs_entry_jumppad:
0x0: {  	(pc) =	sbr.rel $0x88, $3  }
0x1: {  	(tag) =	ssettag $0x0;
	lr =	simm.s32 $0x1  }
0x2: {  	[smem:$0x3F93] =	sst lr;
	_ =	strace $0xD0000000  }
0x3: {  	_ = 	snop  }
0x4: {  	_ = 	snop  }
0x5: {  	_ = 	snop  }
0x6: {  	_ = 	snop  }
0x7: {  	_ = 	snop  }
__scs_overlays_trampoline_lowered:
0x8: {  	[smem:$0x3FA2] =	sst s0  }
0x9: {  	[smem:$0x3FA3] =	sst s1  }
0xa: {  	[smem:$0x3FA4] =	sst s2  }
0xb: {  	[smem:$0x3FA5] =	sst s3  }
0xc: {  	[smem:$0x3FA6] =	sst s4  }
0xd: {  	[smem:$0x3FA7] =	sst s5  }
0xe: {  	[smem:$0x3FA8] =	sst s6  }
0xf: {  	[smem:$0x3FA9] =	sst s7  }
0x10: {  	[smem:$0x3FAA] =	sst s8  }
0x11: {  	[smem:$0x3FAB] =	sst s9;
	s0 =	simm.s32 @!p0 $0x0  }
0x12: {  	s1 =	sld [smem:$0x3F91];
	s0 =	simm.s32 @p0 $0x1  }
0x13: {  	[smem:$0x3FAC] =	sst s0;
	s0 =	simm.s32 @!p1 $0x0  }
0x14: {  	s2 =	sld [smem:$0x3F90];
	s0 =	simm.s32 @p1 $0x1  }
0x15: {  	[smem:$0x3FAD] =	sst s0;
	s0 =	simm.s32 @!p2 $0x0  }
0x16: {  	s3 =	sld [smem:$0x3FDB];
	s0 =	simm.s32 @p2 $0x1  }
0x17: {  	s4 =	simm.s32 $0x1BF5;
	[smem:$0x3FAF] =	sst s0  }
0x18: {  	s0 =	sld [smem:$0x3F92];
	_ =	swait.ge [sflag:s4], $0x0  }
0x19: {  	s7 =	sld [smem:$0x3F93]  }
0x1a: {  	s8 =	sadd.s32 $0xFFFFE003, lr  }
0x1b: {  	s9 =	sadd.s32 $0xFFFFFEF7, lr;
	s5 =	simm.s32 $0xFFFFFFFF;
	p2 =	slt.u32 s8, $0xFFFFF086  }
0x1c: {  	p1 =	slt.u32 s9, $0xF7A;
	s5 =	simm.s32 @!p2 $0x0  }
0x1d: {  	s5 =	simm.s32 @p1 $0x1;
	p0 =	seq.s32 s7, s2  }
0x1e: {  	s7 =	smul.u32 @!p0 $0xF7A, s2;
	p2 =	seq.s32 @!p0 s5, $0x0  }
0x1f: {  	s9 =	smul.u32 $0xF7A, s1;
	s8 =	simm.s32 @!p0 $0x1BF5;
	p2 =	por !p2, p0  }
0x20: {  	[sflag:s8] =	ssyncset.s32 @!p0 $0xFFFFF086;
	s6 =	sadd.s32 @!p0 s3, s7;
	s7 =	simm.s32 @!p0 $0x108  }
0x21: {  	s3 =	sadd.s32 s3, s9;
	s6 =	sadd.s32 @!p0 $0x88, s6;
	s7 =	simm.s32 @p2 $0x1082  }
0x22: {  	[simem:s7], [sflag:s8] =	dma.local @!p0 [hbm:s6], $0xF7A  }
0x23: {  	s9 =	sor.u32 $0xD0000000, s2;
	s6 =	simm.s32 $0x108;
	_ =	swait.ge @!p0 [sflag:s8], $0x0  }
0x24: {  	s3 =	sadd.s32 $0x88, s3;
	s6 =	simm.s32 @!p1 $0x1082;
	[sflag:s4] =	ssyncset.s32 $0xFFFFF086  }
0x25: {  	[simem:s6], [sflag:s4] =	dma.local [hbm:s3], $0xF7A  }
0x26: {  	[smem:$0x3F93] =	sst s1;
	(tag) =	ssettag s2;
	_ =	strace s9  }
0x27: {  	s1 =	sld [smem:$0x3FA3]  }
0x28: {  	s2 =	sld [smem:$0x3FA4]  }
0x29: {  	s4 =	sld [smem:$0x3FA6]  }
0x2a: {  	p0 =	seq.s32 s5, $0x0;
	s5 =	sld [smem:$0x3FA7]  }
0x2b: {  	s6 =	sld [smem:$0x3FA8]  }
0x2c: {  	s7 =	sld [smem:$0x3FA9]  }
0x2d: {  	s3 =	simm.s32 $0x108;
	s8 =	sld [smem:$0x3FAA]  }
0x2e: {  	s3 =	simm.s32 @!p0 $0x1082;
	s9 =	sld [smem:$0x3FAB]  }
0x2f: {  	lr =	sadd.s32 s0, s3;
	s0 =	sld [smem:$0x3FA2]  }
0x30: {  	s3 =	sld [smem:$0x3FA5]  }
0x31: {  	[smem:$0x3FAE] =	sst s10  }
0x32: {  	s10 =	sld [smem:$0x3FAC];
	_ =	sdelay $0x3  }
0x33: {  	p0 =	seq.s32 s10, $0x1;
	s10 =	sld [smem:$0x3FAE];
	_ =	sdelay $0x3  }
0x34: {  	[smem:$0x3FAE] =	sst s10  }
0x35: {  	s10 =	sld [smem:$0x3FAD];
	_ =	sdelay $0x3  }
0x36: {  	p1 =	seq.s32 s10, $0x1;
	s10 =	sld [smem:$0x3FAE];
	_ =	sdelay $0x3  }
0x37: {  	[smem:$0x3FAE] =	sst s10  }
0x38: {  	s10 =	sld [smem:$0x3FAF]  }
0x39: {  	_ = 	snop;
	(pc) =	sbr.ind lr, $3  }
0x3a: {  	_ = 	snop  }
0x3b: {  	_ = 	snop  }
0x3c: {  	p2 =	seq.s32 s10, $0x1;
	s10 =	sld [smem:$0x3FAE]  }
0x3d: {  	_ =	shalt  }
0x3e: {  	_ =	shalt  }
0x3f: {  	_ =	shalt  }
0x40: {  	_ =	shalt  }
0x41: {  	_ =	shalt  }
0x42: {  	_ =	shalt  }
0x43: {  	_ =	shalt  }
0x44: {  	_ =	shalt  }
0x45: {  	_ =	shalt  }
0x46: {  	_ =	shalt  }
0x47: {  	_ =	shalt  }
0x48: {  	_ =	shalt  }
0x49: {  	_ =	shalt  }
0x4a: {  	_ =	shalt  }
0x4b: {  	_ =	shalt  }
0x4c: {  	_ =	shalt  }
0x4d: {  	_ =	shalt  }
0x4e: {  	_ =	shalt  }
0x4f: {  	_ =	shalt  }
0x50: {  	_ =	shalt  }
0x51: {  	_ =	shalt  }
0x52: {  	_ =	shalt  }
0x53: {  	_ =	shalt  }
0x54: {  	_ =	shalt  }
0x55: {  	_ =	shalt  }
0x56: {  	_ =	shalt  }
0x57: {  	_ =	shalt  }
0x58: {  	_ =	shalt  }
0x59: {  	_ =	shalt  }
0x5a: {  	_ =	shalt  }
0x5b: {  	_ =	shalt  }
0x5c: {  	_ =	shalt  }
0x5d: {  	_ =	shalt  }
0x5e: {  	_ =	shalt  }
0x5f: {  	_ =	shalt  }
0x60: {  	_ =	shalt  }
0x61: {  	_ =	shalt  }
0x62: {  	_ =	shalt  }
0x63: {  	_ =	shalt  }
0x64: {  	_ =	shalt  }
0x65: {  	_ =	shalt  }
0x66: {  	_ =	shalt  }
0x67: {  	_ =	shalt  }
0x68: {  	_ =	shalt  }
0x69: {  	_ =	shalt  }
0x6a: {  	_ =	shalt  }
0x6b: {  	_ =	shalt  }
0x6c: {  	_ =	shalt  }
0x6d: {  	_ =	shalt  }
0x6e: {  	_ =	shalt  }
0x6f: {  	_ =	shalt  }
0x70: {  	_ =	shalt  }
0x71: {  	_ =	shalt  }
0x72: {  	_ =	shalt  }
0x73: {  	_ =	shalt  }
0x74: {  	_ =	shalt  }
0x75: {  	_ =	shalt  }
0x76: {  	_ =	shalt  }
0x77: {  	_ =	shalt  }
0x78: {  	_ =	shalt  }
0x79: {  	_ =	shalt  }
0x7a: {  	_ =	shalt  }
0x7b: {  	_ =	shalt  }
0x7c: {  	_ =	shalt  }
0x7d: {  	_ =	shalt  }
0x7e: {  	_ =	shalt  }
0x7f: {  	_ =	shalt  }
0x80: {  	_ =	shalt  }
0x81: {  	_ =	shalt  }
0x82: {  	_ =	shalt  }
0x83: {  	_ =	shalt  }
0x84: {  	_ =	shalt  }
0x85: {  	_ =	shalt  }
0x86: {  	_ =	shalt  }
0x87: {  	_ =	shalt  }
.Lfunc_end0:
.L_simem_size_0:
called_computation_lowered:
.L_overlay_start_0:
0x88: {  	s2 =	sld [smem:$0x3FD9]  }
0x89: {  	s3 =	sld [smem:$0x3FFE];
	_ =	sdelay $0x1  }
0x8a: {  	s1 =	srdreg.scid  }
0x8b: {  	s0 =	sand.u32 $0x1, s1  }
0x8c: {  	s14 =	sshll.u32 s0, $0xA;
	s2 =	sadd.s32 s3, s2  }
0x8d: {  	s2 =	sadd.s32 s2, s14  }
0x8e: {  	[smem:$0x3FBA] =	sst s2  }
0x8f: {  	_ = 	snop  }
0x90: {  	s2 =	sld [smem:$0x3FD0];
	_ =	sdelay $0x2  }
0x91: {  	s15 =	simm.s32 $0xA;
	s4 =	simm.s32 $0x10  }
0x92: {  	[smem:s4], [sflag:s15] =	dma.local [hbm:s2], $0x1  }
0x93: {  	_ =	swait.eq [sflag:s15], $0x1  }
0x94: {  	s16 =	sld [smem:$0x10];
	[sflag:s15] =	ssyncset.done $0x0  }
0x95: {  	s17 =	sld [smem:$0x11];
	[sflag:s15] =	ssyncadd.s32 $0xFFFFFFFF  }
0x96: {  	s18 =	sld [smem:$0x12];
	(tm) =	ssettm $0x1  }
0x97: {  	s5 =	sld [smem:$0x3FFB];
	_ =	sdelay $0x3  }
0x98: {  	_ =	strace s5  }
0x99: {  	s5 =	sld [smem:$0x3FFC];
	_ =	sdelay $0x3  }
0x9a: {  	_ =	strace s5  }
0x9b: {  	s5 =	sld [smem:$0x3FFD];
	_ =	sdelay $0x3  }
0x9c: {  	_ =	strace s5  }
0x9d: {  	_ =	strace $0x8FFFFFFF  }
0x9e: {  	s19 =	sld [smem:$0x3FDB];
	_ =	sdelay $0x1  }
0x9f: {  	s6 =	simm.s32 $_scs_section_size  }
0xa0: {  	s7 =	simm.s32 $_size__tile_overlayer_lowered;
	s8 =	simm.s32 $_tile_overlayer_lowered  }
0xa1: {  	s22 =	simm.s32 $0x1BFF;
	s21 =	sshll.u32 s8, $0x1;
	s5 =	sadd.s32 s6, s19  }
0xa2: {  	s9 =	simm.s32 $0x0;
	s20 =	sshll.u32 s7, $0x1;
	s7 =	sadd.s32 s21, s5  }
0xa3: {  	[timem:s9], [sflag:s22] =	dma.local [hbm:s7], s20  }
0xa4: {  	_ =	swait.ge [sflag:s22], s20  }
0xa5: {  	s6 =	ssub.s32 $0x0, s20;
	[sflag:s22] =	ssyncset.done $0x0  }
0xa6: {  	[sflag:s22] =	ssyncadd.s32 s6;
	_ =	sdelay $0x1  }
0xa7: {  	s23 =	simm.s32 $0x1B8B  }
0xa8: {  	_ =	swait.ge [sflag:s23], $0x1  }
0xa9: {  	[sflag:s23] =	ssyncset.done $0x0  }
0xaa: {  	s25 =	simm.s32 $0x1B8E;
	s24 =	sld [smem:$0x3FFE];
	[sflag:s23] =	ssyncadd.s32 $0xFFFFFFFF  }
0xab: {  	s26 =	simm.s32 $execute0_lowered;
	[smem:$0x3FD2] =	sst s25  }
0xac: {  	s7 =	sshll.u32 s26, $0x1;
	_ =	strace $0x80000046;
	[dreg:$0x1] =	wrdreg $0xFFFFFFFF  }
0xad: {  	s28 =	simm.s32 $_size_execute0_lowered;
	s5 =	sadd.s32 s5, s7;
	[dreg:$0x0] =	wrdreg $0x0  }
0xae: {  	s7 =	sshll.u32 s28, $0x1;
	[dreg:$0x2] =	wrdreg s5  }
0xaf: {  	[dreg:$0x3] =	wrdreg s7  }
0xb0: {  	[dreg:$0x4] =	wrdreg $0xC0  }
0xb1: {  	_ =	task [dreg:s9], $0x5FFFF  }
0xb2: {  	[dreg:$0x1] =	wrdreg $0xFFFFFFFF  }
0xb3: {  	[dreg:$0x0] =	wrdreg $0x60  }
0xb4: {  	[dreg:$0x2] =	wrdreg s24  }
0xb5: {  	[dreg:$0x3] =	wrdreg s17  }
0xb6: {  	[dreg:$0x4] =	wrdreg s18  }
0xb7: {  	[dreg:$0x5] =	wrdreg s16  }
0xb8: {  	[dreg:$0x6] =	wrdreg $0x9  }
0xb9: {  	_ =	task.clear_ibuf [dreg:s9], $0x7FFFF;
	_ =	strace $0x90000046  }
0xba: {  	s29 =	simm.s32 $0x9;
	_ =	strace $0x80000048  }
0xbb: {  	_ =	swait.ge [sflag:s29], $0x1  }
0xbc: {  	[sflag:s29] =	ssyncadd.s32 $0xFFFFFFFF  }
0xbd: {  	_ =	strace $0x90000048  }
0xbe: {  	_ =	sfence  }
0xbf: {  	s30 =	sld [smem:$0x0];
	_ =	sdelay $0x2  }
0xc0: {  	s31 =	sshll.u32 s1, $0xD;
	s1 =	sshrl.u32 s1, $0x2  }
0xc1: {  	s3 =	sand.u32 $0x4000, s31;
	s1 =	sadd.s32 s1, s30  }
0xc2: {  	s0 =	sor.u32 s3, s0;
	s1 =	sshll.u32 s1, $0x11  }
0xc3: {  	s0 =	sor.u32 s1, s0  }
0xc4: {  	s0 =	sadd.s32 $0x8F2B, s0  }
0xc5: {  	[sflag:s0] =	ssyncadd.remote.s32 $0x1  }
0xc6: {  	_ =	sfence.sel $0xFFFF  }
0xc7: {  	[dreg:$0x0] =	wrdreg $0xFFFFFFFF;
	(pc) =	sbr.abs _section_cstart, $3  }
0xc8: {  	[dreg:$0x1] =	wrdreg $0xFFFFFFFF  }
0xc9: {  	_ =	task.clear_ibuf [dreg:s9], $0x2FFFF;
	_ =	strace $0x9FFFFFFF  }
0xca: {  	(tm) =	ssettm $0x7FFFFFFF  }
0xcb: {  	_ =	shalt  }
tec
execute0_lowered:
.L_overlay_start_1:
0x0: {  	(tag) =	ssettag $0x1  }
0x1: {  	s0 =	rddreg [dreg:$0x0]  }
0x2: {  	s3 =	rddreg [dreg:$0x3];
	s4 =	simm.s32 $0x0  }
0x3: {  	s1 =	srdreg.scid;
	s6 =	stileid.u32;
	s13 =	simm.s32 $0x1  }
0x4: {  	s14 =	simm.s32 $0x5000;
	s15 =	simm.s32 $0x5080;
	s16 =	simm.s32 $0x5100  }
0x5: {  	s17 =	simm.s32 $0x5180;
	s18 =	simm.s32 $0x5980;
	s19 =	simm.s32 $0x6180  }
0x6: {  	s20 =	simm.s32 $0x6980;
	s21 =	simm.s32 $0x7180;
	s22 =	simm.s32 $0x7980  }
0x7: {  	s23 =	simm.s32 $0x8180;
	s26 =	simm.s32 $0x0;
	s1 =	sand.u32 $0x1, s1  }
0x8: {  	[smem:$0x7FF] =	sst s4;
	s5 =	sadd.s32 $0x22800, s0;
	s2 =	ssub.s32 $0x2, s1  }
0x9: {  	s7 =	sadd.s32 $0x62800, s0;
	s8 =	sadd.s32 $0x22400, s0;
	s30 =	sshrl.u32 s2, $0x1  }
0xa: {  	v2 =	vlaneseq.u32;
	s9 =	sadd.s32 $0x2400, s0;
	s31 =	sshll.u32 s6, $0x8;
	s0 =	ssub.s32 s2, s30  }
0xb: {  	vm0 =	vmmov $0xffff;
	v1 =	vshrl.u32 v2, $0x3;
	_ =	strace $0x80000047;
	s1 =	sshll.u32 s1, $0xC;
	s0 =	smax.u32 s0, $0x1  }
0xc: {  	v0 =	vand.u32 $0x7, v2;
	v2 =	vor.u32 $0x8, v2;
	v1 =	vmul.u32 $0x8, v1;
	s10 =	sor.u32 s31, s1;
	s1 =	simm.s32 $0x0;
	[dreg:$0x5] =	wrdreg s0  }
.LBB2_1:
0xd: {  	[dreg:$0x6] =	wrdreg s1;
	p1 =	por $0x1, $0x1;
	s0 =	simm.s32 $0x0  }
.LBB2_2:
0xe: {  	s25 =	sor.u32 s10, s0  }
0xf: {  	s0 =	sshll.u32 s25, $0x4  }
0x10: {  	s1 =	simm.s32 $0x1000;
	s0 =	sadd.s32 s9, s0  }
0x11: {  	[tilespmem:s1], [sflag:$0x1] =	stream.linear.gather [hbm4b:s0+s26], $0x4000, $0x38;
	[tilespmem:$0x9180] =	vst v63  }
0x12: {  	_ =	swait.ge [sflag:s13], $0x4000  }
0x13: {  	s24 =	sshrl.u32 s25, $0x3;
	[sflag:s13] =	ssyncset.done $0x0  }
0x14: {  	s29 =	sadd.s32 s8, s24;
	[sflag:s13] =	ssyncadd.s32 $0xFFFFC000  }
0x15: {  	[tilespmem:s14], [sflag:$0x1] =	stream.linear.gather [hbm4b:s29+s26], $0x80, $0x38;
	[tilespmem:$0x9180] =	vst v63  }
0x16: {  	_ =	swait.ge [sflag:s13], $0x80  }
0x17: {  	[sflag:s13] =	ssyncset.done $0x0  }
0x18: {  	[sflag:s13] =	ssyncadd.s32 $0xFFFFFF80  }
0x19: {  	s30 =	rddreg [dreg:$0x1]  }
0x1a: {  	s1 =	sadd.s32 s30, s24  }
0x1b: {  	[tilespmem:s15], [sflag:$0x1] =	stream.linear.gather [hbm4b:s1+s26], $0x80, $0x38;
	[tilespmem:$0x9180] =	vst v63  }
0x1c: {  	_ =	swait.ge [sflag:s13], $0x80  }
0x1d: {  	[sflag:s13] =	ssyncset.done $0x0  }
0x1e: {  	[sflag:s13] =	ssyncadd.s32 $0xFFFFFF80  }
0x1f: {  	s31 =	rddreg [dreg:$0x2]  }
0x20: {  	s0 =	sadd.s32 s31, s24  }
0x21: {  	[tilespmem:s16], [sflag:$0x1] =	stream.linear.gather [hbm4b:s0+s26], $0x80, $0x38;
	[tilespmem:$0x9180] =	vst v63  }
0x22: {  	_ =	swait.ge [sflag:s13], $0x80  }
0x23: {  	[sflag:s13] =	ssyncset.done $0x0  }
0x24: {  	p0 =	por p1, p1;
	s28 =	simm.s32 $0x0;
	[sflag:s13] =	ssyncadd.s32 $0xFFFFFF80  }
.LBB2_3:
0x25: {  	s29 =	sshll.u32 s28, $0x4  }
0x26: {  	s0 =	sor.u32 s25, s29  }
0x27: {  	s30 =	sshll.u32 s0, $0x5  }
0x28: {  	s0 =	sadd.s32 s5, s30  }
0x29: {  	[tilespmem:s26], [sflag:$0x1] =	stream.linear.gather [hbm4b:s0+s26], $0x1000, $0x38;
	[tilespmem:$0x9180] =	vst v63  }
0x2a: {  	_ =	swait.ge [sflag:s13], $0x1000  }
0x2b: {  	[sflag:s13] =	ssyncset.done $0x0  }
0x2c: {  	[sflag:s13] =	ssyncadd.s32 $0xFFFFF000  }
0x2d: {  	v3 =	vld [tilespmem:s29+$0x5000];
	_ =	sdelay $0x4  }
0x2e: {  	v4 =	vshll.u32 v3, $0x1  }
0x2f: {  	v3 =	vand.u32 $0x7, v3;
	v4 =	vand.u32 $0xFFFFFFF0, v4  }
0x30: {  	v3 =	vor.u32 v3, v4  }
0x31: {  	v4 =	vperm.xlane v3, v0;
	_ =	sdelay $0x1  }
0x32: {  	v3 =	vperm.xlane v3, v2;
	v4 =	vadd.s32 v1, v4;
	_ =	sdelay $0x1  }
0x33: {  	v3 =	vadd.s32 v1, v3;
	_ =	sdelay $0x2  }
0x34: {  	[tilespmem:s17], [sflag:$0x1] =	stream.indirect_vreg.gather [hbm4b:s7+s26], $0x80, v4, vm0, $0xb8;
	[tilespmem:$0x9180] =	vst v63  }
0x35: {  	_ = 	snop  }
0x36: {  	[tilespmem:s18], [sflag:$0x1] =	stream.indirect_vreg.gather [hbm4b:s7+s26], $0x80, v3, vm0, $0xb8;
	[tilespmem:$0x9180] =	vst v63  }
0x37: {  	_ =	swait.ge [sflag:s13], $0x1000  }
0x38: {  	[sflag:s13] =	ssyncset.done $0x0  }
0x39: {  	[sflag:s13] =	ssyncadd.s32 $0xFFFFF000  }
0x3a: {  	v3 =	vld [tilespmem:s29+$0x5080];
	_ =	sdelay $0x4  }
0x3b: {  	v62 =	vshll.u32 v3, $0x1  }
0x3c: {  	v3 =	vand.u32 $0x7, v3;
	v4 =	vand.u32 $0xFFFFFFF0, v62  }
0x3d: {  	v3 =	vor.u32 v3, v4  }
0x3e: {  	v4 =	vperm.xlane v3, v0;
	_ =	sdelay $0x1  }
0x3f: {  	v3 =	vperm.xlane v3, v2;
	v4 =	vadd.s32 v1, v4;
	_ =	sdelay $0x1  }
0x40: {  	v3 =	vadd.s32 v1, v3;
	_ =	sdelay $0x2  }
0x41: {  	[tilespmem:s19], [sflag:$0x1] =	stream.indirect_vreg.gather [hbm4b:s7+s26], $0x80, v4, vm0, $0xb8;
	[tilespmem:$0x9180] =	vst v63  }
0x42: {  	_ = 	snop  }
0x43: {  	[tilespmem:s20], [sflag:$0x1] =	stream.indirect_vreg.gather [hbm4b:s7+s26], $0x80, v3, vm0, $0xb8;
	[tilespmem:$0x9180] =	vst v63  }
0x44: {  	_ =	swait.ge [sflag:s13], $0x1000  }
0x45: {  	[sflag:s13] =	ssyncset.done $0x0  }
0x46: {  	[sflag:s13] =	ssyncadd.s32 $0xFFFFF000  }
0x47: {  	v3 =	vld [tilespmem:s29+$0x5100];
	_ =	sdelay $0x4  }
0x48: {  	v63 =	vshll.u32 v3, $0x1  }
0x49: {  	v3 =	vand.u32 $0x7, v3;
	v4 =	vand.u32 $0xFFFFFFF0, v63  }
0x4a: {  	v3 =	vor.u32 v3, v4  }
0x4b: {  	v4 =	vperm.xlane v3, v0;
	_ =	sdelay $0x1  }
0x4c: {  	v3 =	vperm.xlane v3, v2;
	v4 =	vadd.s32 v1, v4;
	_ =	sdelay $0x1  }
0x4d: {  	v3 =	vadd.s32 v1, v3;
	_ =	sdelay $0x2  }
0x4e: {  	[tilespmem:s21], [sflag:$0x1] =	stream.indirect_vreg.gather [hbm4b:s7+s26], $0x80, v4, vm0, $0xb8;
	[tilespmem:$0x9180] =	vst v63  }
0x4f: {  	_ = 	snop  }
0x50: {  	[tilespmem:s22], [sflag:$0x1] =	stream.indirect_vreg.gather [hbm4b:s7+s26], $0x80, v3, vm0, $0xb8;
	[tilespmem:$0x9180] =	vst v63  }
0x51: {  	_ =	swait.ge [sflag:s13], $0x1000  }
0x52: {  	[sflag:s13] =	ssyncset.done $0x0  }
0x53: {  	s31 =	simm.s32 $0x0;
	[sflag:s13] =	ssyncadd.s32 $0xFFFFF000  }
.LBB2_4:
0x54: {  	s0 =	sshll.u32 s31, $0x8;
	s1 =	sshll.u32 s31, $0x7  }
0x55: {  	s2 =	simm.s32 $0x0;
	s0 =	sand.u32 $0x800, s0;
	s1 =	sand.u32 $0x380, s1  }
0x56: {  	s11 =	sand.u32 $0x400, s2;
	s6 =	sor.u32 s0, s1  }
0x57: {  	s12 =	sand.u32 $0x70, s2;
	s0 =	sor.u32 s11, s6  }
0x58: {  	s24 =	sadd.s32 s29, s31;
	s11 =	sor.u32 s12, s0  }
0x59: {  	s1 =	sshll.u32 s24, $0x7;
	v3 =	vld [tilespmem:s11+$0x0]  }
0x5a: {  	s0 =	sand.u32 $0x3FFFFF80, s1;
	v4 =	vld [tilespmem:s11+$0x5180]  }
0x5b: {  	v5 =	vld [tilespmem:s0+$0x1000]  }
0x5c: {  	v6 =	vld [tilespmem:s11+$0x6180]  }
0x5d: {  	v7 =	vld [tilespmem:s0+$0x1010]  }
0x5e: {  	v8 =	vld [tilespmem:s11+$0x7180]  }
0x5f: {  	v9 =	vld [tilespmem:s0+$0x1020]  }
0x60: {  	v4 =	vmul.f32 v4, v5;
	_ =	sdelay $0x1  }
0x61: {  	v3 =	vadd.f32 v4, v3;
	v4 =	vmul.f32 v6, v7  }
0x62: {  	s24 =	simm.s32 $0x80  }
0x63: {  	s2 =	simm.s32 $0x10;
	s12 =	sand.u32 $0x400, s24;
	v3 =	vadd.f32 v4, v3;
	v4 =	vmul.f32 v8, v9  }
0x64: {  	s1 =	sand.u32 $0x70, s2;
	s2 =	sor.u32 s12, s6  }
0x65: {  	s2 =	sor.u32 s1, s2;
	s1 =	simm.s32 $0x20;
	v3 =	vadd.f32 v4, v3  }
.LBB2_5:
0x66: {  	p1 =	sne.s32 s1, $0xF0;
	v4 =	vld [tilespmem:s2+$0x0]  }
0x67: {  	v5 =	vld [tilespmem:s2+$0x5180];
	[tilespmem:s11+$0x8180] =	vst v3;
	s11 =	smov.u32 s2  }
0x68: {  	v3 =	vld [tilespmem:s0+$0x1000]  }
0x69: {  	v6 =	vld [tilespmem:s11+$0x6180]  }
0x6a: {  	v7 =	vld [tilespmem:s0+$0x1010]  }
0x6b: {  	v8 =	vld [tilespmem:s11+$0x7180]  }
0x6c: {  	v9 =	vld [tilespmem:s0+$0x1020]  }
0x6d: {  	v3 =	vmul.f32 v5, v3;
	_ =	sdelay $0x1  }
.Ltmp0:
0x6e: {  	v3 =	vadd.f32 v3, v4;
	v4 =	vmul.f32 v6, v7;
	(pc) =	sbr.rel @p1 .LBB2_5-.Ltmp0, $4  }
0x6f: {  	s24 =	sadd.s32 $0x80, s24  }
0x70: {  	s2 =	sand.u32 $0x400, s24;
	v3 =	vadd.f32 v4, v3;
	v4 =	vmul.f32 v8, v9  }
0x71: {  	s12 =	sand.u32 $0x70, s1;
	s2 =	sor.u32 s2, s6  }
0x72: {  	s1 =	sadd.s32 $0x10, s1;
	s2 =	sor.u32 s12, s2;
	v3 =	vadd.f32 v4, v3  }
0x73: {  	v4 =	vld [tilespmem:s2+$0x0]  }
0x74: {  	v5 =	vld [tilespmem:s2+$0x5180];
	[tilespmem:s11+$0x8180] =	vst v3  }
0x75: {  	v3 =	vld [tilespmem:s0+$0x1000]  }
0x76: {  	v6 =	vld [tilespmem:s2+$0x6180]  }
0x77: {  	v7 =	vld [tilespmem:s0+$0x1010]  }
0x78: {  	v8 =	vld [tilespmem:s2+$0x7180]  }
0x79: {  	v9 =	vld [tilespmem:s0+$0x1020]  }
0x7a: {  	v3 =	vmul.f32 v5, v3;
	_ =	sdelay $0x1  }
0x7b: {  	s31 =	sadd.s32 $0x1, s31;
	v62 =	vmul.f32 v6, v7;
	v3 =	vadd.f32 v3, v4  }
0x7c: {  	p1 =	sne.s32 s31, $0x10  }
.Ltmp1:
0x7d: {  	v63 =	vmul.f32 v8, v9;
	v3 =	vadd.f32 v62, v3;
	(pc) =	sbr.rel @p1 .LBB2_4-.Ltmp1, $3  }
0x7e: {  	_ = 	snop  }
0x7f: {  	v3 =	vadd.f32 v63, v3;
	_ =	sdelay $0x1  }
0x80: {  	[tilespmem:s2+$0x8180] =	vst v3  }
0x81: {  	s28 =	sadd.s32 $0x1, s28  }
0x82: {  	p1 =	sne.s32 s28, $0x8  }
.Ltmp2:
0x83: {  	s0 =	sadd.s32 s3, s30;
	(pc) =	sbr.rel @p1 .LBB2_3-.Ltmp2, $4  }
0x84: {  	[hbm4b:s0+s4] =	stream.linear.scatter [tilespmem:s23], [sflag:$0x1], $0x1000, $0x38;
	[tilespmem:$0x9180] =	vst v63  }
0x85: {  	_ =	swait.ge [sflag:s13], $0x1000  }
0x86: {  	[sflag:s13] =	ssyncset.done $0x0  }
0x87: {  	[sflag:s13] =	ssyncadd.s32 $0xFFFFF000  }
.Ltmp3:
0x88: {  	(pc) =	sbr.rel @p0 .LBB2_2-.Ltmp3, $2  }
0x89: {  	_ =	sdelay $0x2  }
0x8a: {  	s0 =	simm.s32 $0x80;
	p1 =	por $0x0, $0x0  }
0x8b: {  	s1 =	rddreg [dreg:$0x6]  }
0x8c: {  	s0 =	rddreg [dreg:$0x5];
	s1 =	sadd.s32 $0x1, s1  }
0x8d: {  	p0 =	sne.s32 s1, s0  }
.Ltmp4:
0x8e: {  	_ = 	snop;
	(pc) =	sbr.rel @p0 .LBB2_1-.Ltmp4, $1  }
0x8f: {  	_ =	sdelay $0x3  }
0x90: {  	_ =	sfence.sel $0x180000  }
0x91: {  	[bflag:$0x0] =	sbarrier.arrive $0xFFFF  }
0x92: {  	_ =	strace $0x90000047  }
0x93: {  	s0 =	stileid.u32;
	[bflag:$0x2] =	sbarrier.arrive $0xFFFF  }
0x94: {  	p0 =	sne.s32 s0, $0x0;
	s0 =	rddreg [dreg:$0x4]  }
0x95: {  	s0 =	sadd.s32 @!p0 $0x100000, s0  }
0x96: {  	[sflag:s0] =	ssyncadd.tile.s32 @!p0 $0x1;
	_ =	shalt  }
.Lfunc_end2:
_tile_overlayer_lowered:
.L_overlay_start_2:
0x97: {  	(tag) =	ssettag $0x2  }
0x98: {  	s0 =	rddreg [dreg:$0x0];
	s2 =	stileid.u32  }
0x99: {  	s1 =	rddreg [dreg:$0x1];
	p0 =	sne.s32 s2, $0x0  }
0x9a: {  	s3 =	rddreg [dreg:$0x2];
	[bflag:$0x3] =	sbarrier.arrive $0xFFFF;
	s2 =	simm.s32 @!p0 $0x1C01  }
0x9b: {  	[timem:s3], [sflag:s2] =	dma.local @!p0 [hbm:s0], s1  }
0x9c: {  	s0 =	simm.s32 @!p0 $0x1  }
0x9d: {  	_ =	swait.ge @!p0 [sflag:s0], s1  }
0x9e: {  	s1 =	ssub.s32 @!p0 $0x0, s1;
	[sflag:s0] =	ssyncset.done @!p0 $0x0  }
0x9f: {  	[sflag:s0] =	ssyncadd.s32 @!p0 s1  }
0xa0: {  	[bflag:$0x3] =	sbarrier.arrive $0xFFFF  }
0xa1: {  	_ =	shalt  }

</sc_bundles>
